<compile_context>
chip_gen: v7x
topology: tpu7x:2x2x1
jax: 0.10.2.dev20260603
libtpu: 0.0.44.dev20260713+nightly
codegen_flags: <defaults>
</compile_context>

<pallas_src>
import functools

import jax
import jax.numpy as jnp
from jax import lax
from jax.experimental import pallas as pl
from jax.experimental.pallas import tpu as pltpu
from jax.experimental.pallas import tpu_sc as plsc

N = 10000
NP = 10240
E = 320000
D_IN = 128
D_HID = 128
D_OUT = 64

NC = 2
NS = 16
NW = NC * NS
EPW = E // NW
K = 80
NCHUNK = EPW // K
RPT = NP // NS
ZR = 128

_mesh = plsc.VectorSubcoreMesh(core_axis_name="c", subcore_axis_name="s")



DW = 128


@functools.partial(
    pl.kernel,
    out_type=jax.ShapeDtypeStruct((NC, NP, DW), jnp.float32),
    scratch_types=[
        pltpu.VMEM((K,), jnp.int32),
        pltpu.VMEM((K, DW), jnp.float32),
        pltpu.VMEM((ZR, DW), jnp.float32),
        pltpu.VMEM_SHARED((NP, DW), jnp.float32),
    ],
    mesh=_mesh,
)
def _sc_deg(dst_hbm, out_hbm, dst_v, ones_v, zero_v, acc_sh):
    cid = lax.axis_index("c")
    sid = lax.axis_index("s")
    wid = sid * NC + cid

    def ofill(i, _):
        for j in range(DW // 16):
            ones_v[i, pl.ds(j * 16, 16)] = jnp.ones((16,), jnp.float32)
        return 0
    lax.fori_loop(0, K, ofill, 0)

    def zfill(i, _):
        for j in range(DW // 16):
            zero_v[i, pl.ds(j * 16, 16)] = jnp.zeros((16,), jnp.float32)
        return 0
    lax.fori_loop(0, ZR, zfill, 0)

    for t in range(RPT // ZR):
        pltpu.sync_copy(zero_v, acc_sh.at[pl.ds(sid * RPT + t * ZR, ZR)])
    plsc.subcore_barrier()

    ebase = wid * EPW

    def step(i, _):
        pltpu.sync_copy(dst_hbm.at[pl.ds(ebase + i * K, K)], dst_v)
        pltpu.sync_copy(ones_v, acc_sh.at[dst_v], add=True)
        return 0
    lax.fori_loop(0, NCHUNK, step, 0)

    plsc.subcore_barrier()
    for t in range(RPT // ZR):
        r = sid * RPT + t * ZR
        pltpu.sync_copy(acc_sh.at[pl.ds(r, ZR)],
                        out_hbm.at[cid, pl.ds(r, ZR)])


def _make_sc_scatter(d):
    @functools.partial(
        pl.kernel,
        out_type=jax.ShapeDtypeStruct((NC, NP, d), jnp.float32),
        scratch_types=[
            pltpu.VMEM((K,), jnp.int32),
            pltpu.VMEM((K,), jnp.int32),
            pltpu.VMEM((K, d), jnp.float32),
            pltpu.VMEM((ZR, d), jnp.float32),
            pltpu.VMEM_SHARED((NP, d), jnp.float32),
            pltpu.SemaphoreType.DMA,
        ],
        mesh=_mesh,
    )
    def _sc_scatter(v_hbm, src_hbm, dst_hbm, out_hbm,
                    src_v, dst_v, rows_v, zrow_v, acc_sh, sem):
        cid = lax.axis_index("c")
        sid = lax.axis_index("s")
        wid = sid * NC + cid

        def zfill(i, _):
            for j in range(d // 16):
                zrow_v[i, pl.ds(j * 16, 16)] = jnp.zeros((16,), jnp.float32)
            return 0
        lax.fori_loop(0, ZR, zfill, 0)

        for t in range(RPT // ZR):
            pltpu.sync_copy(zrow_v, acc_sh.at[pl.ds(sid * RPT + t * ZR, ZR)])
        plsc.subcore_barrier()

        ebase = wid * EPW

        def step(i, _):
            b = ebase + i * K
            pltpu.sync_copy(src_hbm.at[pl.ds(b, K)], src_v)
            pltpu.sync_copy(dst_hbm.at[pl.ds(b, K)], dst_v)
            pltpu.async_copy(v_hbm.at[src_v], rows_v, sem).wait()
            pltpu.sync_copy(rows_v, acc_sh.at[dst_v], add=True)
            return 0
        lax.fori_loop(0, NCHUNK, step, 0)

        plsc.subcore_barrier()
        for t in range(RPT // ZR):
            r = sid * RPT + t * ZR
            pltpu.sync_copy(acc_sh.at[pl.ds(r, ZR)],
                            out_hbm.at[cid, pl.ds(r, ZR)])

    return _sc_scatter


_sc_scatter_128 = _make_sc_scatter(D_IN)



_BN = 1000
_GRID = N // _BN


def _dinv_from(deg_ref):
    deg = deg_ref[0, :, 0] + deg_ref[1, :, 0] + 1.0
    return lax.rsqrt(deg)


def _tc1_body(deg_ref, x_ref, xs_ref):
    dinv = _dinv_from(deg_ref)
    xs_ref[...] = x_ref[...] * dinv[:, None]


def _tc2_body(deg_ref, s1_ref, xs_ref, w1_ref, b1_ref, hs_ref):
    dinv = _dinv_from(deg_ref)
    agg = (s1_ref[0] + s1_ref[1] + xs_ref[...]) * dinv[:, None]
    h = jnp.dot(agg, w1_ref[...], preferred_element_type=jnp.float32)
    h = jnp.maximum(h + b1_ref[...][None, :], 0.0)
    hs_ref[...] = h * dinv[:, None]


def _tc3_body(deg_ref, s2_ref, hs_ref, wm_ref, bm_ref, wl_ref, bl_ref,
              mu_ref, ls_ref):
    dinv = _dinv_from(deg_ref)
    g = (s2_ref[0] + s2_ref[1] + hs_ref[...]) * dinv[:, None]
    mu_ref[...] = (jnp.dot(g, wm_ref[...], preferred_element_type=jnp.float32)
                   + bm_ref[...][None, :])
    ls_ref[...] = (jnp.dot(g, wl_ref[...], preferred_element_type=jnp.float32)
                   + bl_ref[...][None, :])


_deg_spec = pl.BlockSpec((NC, _BN, 1), lambda i: (0, i, 0))
_row_spec = pl.BlockSpec((_BN, D_IN), lambda i: (i, 0))
_acc_spec = pl.BlockSpec((NC, _BN, D_IN), lambda i: (0, i, 0))


def _tc1(deg3, x):
    return pl.pallas_call(
        _tc1_body,
        grid=(_GRID,),
        in_specs=[_deg_spec, _row_spec],
        out_specs=_row_spec,
        out_shape=jax.ShapeDtypeStruct((N, D_IN), jnp.float32),
    )(deg3, x)


def _tc2(deg3, s1, xs, w1, b1):
    return pl.pallas_call(
        _tc2_body,
        grid=(_GRID,),
        in_specs=[
            _deg_spec, _acc_spec, _row_spec,
            pl.BlockSpec((D_IN, D_HID), lambda i: (0, 0)),
            pl.BlockSpec((D_HID,), lambda i: (0,)),
        ],
        out_specs=pl.BlockSpec((_BN, D_HID), lambda i: (i, 0)),
        out_shape=jax.ShapeDtypeStruct((N, D_HID), jnp.float32),
    )(deg3, s1, xs, w1, b1)


def _tc3(deg3, s2, hs, w_mu, b_mu, w_logstd, b_logstd):
    out_spec = pl.BlockSpec((_BN, D_OUT), lambda i: (i, 0))
    return pl.pallas_call(
        _tc3_body,
        grid=(_GRID,),
        in_specs=[
            _deg_spec, _acc_spec, pl.BlockSpec((_BN, D_HID), lambda i: (i, 0)),
            pl.BlockSpec((D_HID, D_OUT), lambda i: (0, 0)),
            pl.BlockSpec((D_OUT,), lambda i: (0,)),
            pl.BlockSpec((D_HID, D_OUT), lambda i: (0, 0)),
            pl.BlockSpec((D_OUT,), lambda i: (0,)),
        ],
        out_specs=[out_spec, out_spec],
        out_shape=[jax.ShapeDtypeStruct((N, D_OUT), jnp.float32),
                   jax.ShapeDtypeStruct((N, D_OUT), jnp.float32)],
    )(deg3, s2, hs, w_mu, b_mu, w_logstd, b_logstd)



def kernel(x, edge_index, W1, b1, W_mu, b_mu, W_logstd, b_logstd):
    src = edge_index[0]
    dst = edge_index[1]
    deg2 = _sc_deg(dst)
    deg3 = deg2[:, :, :1]
    xs = _tc1(deg3, x)
    s1 = _sc_scatter_128(xs, src, dst)
    hs = _tc2(deg3, s1, xs, W1, b1)
    s2 = _sc_scatter_128(hs, src, dst)
    mu, logstd = _tc3(deg3, s2, hs, W_mu, b_mu, W_logstd, b_logstd)
    return (mu, logstd)

# --- scband reference (transcript-rebuilt; emitter-appended) ---
"""Pipeline reference for scband-variational-gcnencoder-17669495456117 (READ-ONLY COPY).

The authoritative reference and input builder live on the scoring server;
editing this copy changes nothing except your own understanding.
"""

import jax, jax.numpy as jnp
import numpy as np

N = 10000
E = 320000
D_IN = 128
D_OUT = 64
D_HID = 2 * D_OUT


def setup_inputs(seed: int = 0) -> dict:
    key = jax.random.key(seed)
    ks = jax.random.split(key, 8)
    x = jax.random.normal(ks[0], (N, D_IN), dtype=jnp.float32)
    edge_index = jax.random.randint(ks[1], (2, E), 0, N, dtype=jnp.int32)
    W1 = jax.random.normal(ks[2], (D_IN, D_HID), dtype=jnp.float32) * (1.0 / np.sqrt(D_IN))
    b1 = jnp.zeros((D_HID,), dtype=jnp.float32)
    W_mu = jax.random.normal(ks[3], (D_HID, D_OUT), dtype=jnp.float32) * (1.0 / np.sqrt(D_HID))
    b_mu = jnp.zeros((D_OUT,), dtype=jnp.float32)
    W_logstd = jax.random.normal(ks[4], (D_HID, D_OUT), dtype=jnp.float32) * (1.0 / np.sqrt(D_HID))
    b_logstd = jnp.zeros((D_OUT,), dtype=jnp.float32)
    return {"x": x, "edge_index": edge_index, "W1": W1, "b1": b1,
            "W_mu": W_mu, "b_mu": b_mu, "W_logstd": W_logstd, "b_logstd": b_logstd}


def _gcn_conv(x, src, dst, W, b):
    # PyG GCNConv: h = x @ W; symmetric normalization with self-loops
    # (self-loops already appended to src/dst by caller); scatter-add; + bias
    n = x.shape[0]
    h = x @ W
    deg = jnp.zeros((n,), dtype=x.dtype).at[dst].add(1.0)
    dinv = jnp.where(deg > 0, jax.lax.rsqrt(jnp.maximum(deg, 1e-12)), 0.0)
    norm = dinv[src] * dinv[dst]
    msg = jnp.take(h, src, axis=0) * norm[:, None]
    out = jnp.zeros((n, h.shape[1]), dtype=x.dtype).at[dst].add(msg)
    return out + b


def reference(x, edge_index, W1, b1, W_mu, b_mu, W_logstd, b_logstd):
    n = x.shape[0]
    loop = jnp.arange(n, dtype=edge_index.dtype)
    src = jnp.concatenate([edge_index[0], loop])
    dst = jnp.concatenate([edge_index[1], loop])
    h = jax.nn.relu(_gcn_conv(x, src, dst, W1, b1))
    mu = _gcn_conv(h, src, dst, W_mu, b_mu)
    logstd = _gcn_conv(h, src, dst, W_logstd, b_logstd)
    return (mu, logstd)

if __name__ == "__main__":
    import jax
    _d = setup_inputs()
    print(jax.jit(kernel)(*tuple(_d.values())))

</pallas_src>

<mosaic_0001>
#map = affine_map<(d0, d1) -> (0)>
#map1 = affine_map<(d0, d1) -> (0, 0, 0)>
module attributes {stable_mosaic.version = 14 : i64} {
  func.func @_sc_deg(%arg0: i32, %arg1: i32, %arg2: memref<320000xi32, #tpu.memory_space<hbm>>, %arg3: memref<2x10240x128xf32, #tpu.memory_space<hbm>>, %arg4: memref<80xi32, #tpu.memory_space<vmem>>, %arg5: memref<80x128xf32, #tpu.memory_space<vmem>>, %arg6: memref<128x128xf32, #tpu.memory_space<vmem>>, %arg7: memref<10240x128xf32, #tpu.memory_space<vmem_shared>>) attributes {dimension_semantics = [#tpu.dimension_semantics<core_parallel>, #tpu.dimension_semantics<subcore_parallel>], iteration_bounds = array<i64: 2, 16>, scalar_prefetch = 0 : i64, scratch_operands = 4 : i64, tpu.core_type = #tpu.core_type<sc_vector_subcore>, window_params = [{transform_indices = #map}, {transform_indices = #map1}]} {
    %mul3A = arith.constant 2 : i32
    %mul3A_0 = arith.muli %arg1, %mul3A : i32
    %add3A = arith.addi %mul3A_0, %arg0 : i32
    %scan3A = arith.constant 0 : i32
    %scan3A_1 = arith.constant 0 : i32
    %scan3A_2 = arith.constant 80 : i32
    %scan3A_3 = arith.addi %scan3A_1, %scan3A_2 : i32
    %scan3A_4 = arith.constant 1 : i32
    %scan3A_5 = scf.for %scan3A_64 = %scan3A_1 to %scan3A_3 step %scan3A_4 iter_args(%scan3A_65 = %scan3A) -> (i32)  : i32 {
      %broadcast_in_dim3A = arith.constant 1.000000e+00 : f32
      %broadcast_in_dim3A_66 = vector.broadcast %broadcast_in_dim3A : f32 to vector<16xf32>
      %swap3A = arith.index_cast %scan3A_64 : i32 to index
      %swap3A_67 = arith.constant 0 : index
      %swap3A_68 = tpu.vector_load %arg5[%swap3A, %swap3A_67] {strides = array<i32>} : memref<80x128xf32, #tpu.memory_space<vmem>>, vector<1x16xf32>,
      %swap3A_69 = vector.shape_cast %swap3A_68 : vector<1x16xf32> to vector<16xf32>
      %swap3A_70 = vector.shape_cast %broadcast_in_dim3A_66 : vector<16xf32> to vector<1x16xf32>
      tpu.vector_store %arg5[%swap3A, %swap3A_67], %swap3A_70 {strides = array<i32>} : memref<80x128xf32, #tpu.memory_space<vmem>>, vector<1x16xf32>,
      %broadcast_in_dim3A_71 = arith.constant 1.000000e+00 : f32
      %broadcast_in_dim3A_72 = vector.broadcast %broadcast_in_dim3A_71 : f32 to vector<16xf32>
      %swap3A_73 = arith.index_cast %scan3A_64 : i32 to index
      %swap3A_74 = arith.constant 16 : index
      %swap3A_75 = tpu.vector_load %arg5[%swap3A_73, %swap3A_74] {strides = array<i32>} : memref<80x128xf32, #tpu.memory_space<vmem>>, vector<1x16xf32>,
      %swap3A_76 = vector.shape_cast %swap3A_75 : vector<1x16xf32> to vector<16xf32>
      %swap3A_77 = vector.shape_cast %broadcast_in_dim3A_72 : vector<16xf32> to vector<1x16xf32>
      tpu.vector_store %arg5[%swap3A_73, %swap3A_74], %swap3A_77 {strides = array<i32>} : memref<80x128xf32, #tpu.memory_space<vmem>>, vector<1x16xf32>,
      %broadcast_in_dim3A_78 = arith.constant 1.000000e+00 : f32
      %broadcast_in_dim3A_79 = vector.broadcast %broadcast_in_dim3A_78 : f32 to vector<16xf32>
      %swap3A_80 = arith.index_cast %scan3A_64 : i32 to index
      %swap3A_81 = arith.constant 32 : index
      %swap3A_82 = tpu.vector_load %arg5[%swap3A_80, %swap3A_81] {strides = array<i32>} : memref<80x128xf32, #tpu.memory_space<vmem>>, vector<1x16xf32>,
      %swap3A_83 = vector.shape_cast %swap3A_82 : vector<1x16xf32> to vector<16xf32>
      %swap3A_84 = vector.shape_cast %broadcast_in_dim3A_79 : vector<16xf32> to vector<1x16xf32>
      tpu.vector_store %arg5[%swap3A_80, %swap3A_81], %swap3A_84 {strides = array<i32>} : memref<80x128xf32, #tpu.memory_space<vmem>>, vector<1x16xf32>,
      %broadcast_in_dim3A_85 = arith.constant 1.000000e+00 : f32
      %broadcast_in_dim3A_86 = vector.broadcast %broadcast_in_dim3A_85 : f32 to vector<16xf32>
      %swap3A_87 = arith.index_cast %scan3A_64 : i32 to index
      %swap3A_88 = arith.constant 48 : index
      %swap3A_89 = tpu.vector_load %arg5[%swap3A_87, %swap3A_88] {strides = array<i32>} : memref<80x128xf32, #tpu.memory_space<vmem>>, vector<1x16xf32>,
      %swap3A_90 = vector.shape_cast %swap3A_89 : vector<1x16xf32> to vector<16xf32>
      %swap3A_91 = vector.shape_cast %broadcast_in_dim3A_86 : vector<16xf32> to vector<1x16xf32>
      tpu.vector_store %arg5[%swap3A_87, %swap3A_88], %swap3A_91 {strides = array<i32>} : memref<80x128xf32, #tpu.memory_space<vmem>>, vector<1x16xf32>,
      %broadcast_in_dim3A_92 = arith.constant 1.000000e+00 : f32
      %broadcast_in_dim3A_93 = vector.broadcast %broadcast_in_dim3A_92 : f32 to vector<16xf32>
      %swap3A_94 = arith.index_cast %scan3A_64 : i32 to index
      %swap3A_95 = arith.constant 64 : index
      %swap3A_96 = tpu.vector_load %arg5[%swap3A_94, %swap3A_95] {strides = array<i32>} : memref<80x128xf32, #tpu.memory_space<vmem>>, vector<1x16xf32>,
      %swap3A_97 = vector.shape_cast %swap3A_96 : vector<1x16xf32> to vector<16xf32>
      %swap3A_98 = vector.shape_cast %broadcast_in_dim3A_93 : vector<16xf32> to vector<1x16xf32>
      tpu.vector_store %arg5[%swap3A_94, %swap3A_95], %swap3A_98 {strides = array<i32>} : memref<80x128xf32, #tpu.memory_space<vmem>>, vector<1x16xf32>,
      %broadcast_in_dim3A_99 = arith.constant 1.000000e+00 : f32
      %broadcast_in_dim3A_100 = vector.broadcast %broadcast_in_dim3A_99 : f32 to vector<16xf32>
      %swap3A_101 = arith.index_cast %scan3A_64 : i32 to index
      %swap3A_102 = arith.constant 80 : index
      %swap3A_103 = tpu.vector_load %arg5[%swap3A_101, %swap3A_102] {strides = array<i32>} : memref<80x128xf32, #tpu.memory_space<vmem>>, vector<1x16xf32>,
      %swap3A_104 = vector.shape_cast %swap3A_103 : vector<1x16xf32> to vector<16xf32>
      %swap3A_105 = vector.shape_cast %broadcast_in_dim3A_100 : vector<16xf32> to vector<1x16xf32>
      tpu.vector_store %arg5[%swap3A_101, %swap3A_102], %swap3A_105 {strides = array<i32>} : memref<80x128xf32, #tpu.memory_space<vmem>>, vector<1x16xf32>,
      %broadcast_in_dim3A_106 = arith.constant 1.000000e+00 : f32
      %broadcast_in_dim3A_107 = vector.broadcast %broadcast_in_dim3A_106 : f32 to vector<16xf32>
      %swap3A_108 = arith.index_cast %scan3A_64 : i32 to index
      %swap3A_109 = arith.constant 96 : index
      %swap3A_110 = tpu.vector_load %arg5[%swap3A_108, %swap3A_109] {strides = array<i32>} : memref<80x128xf32, #tpu.memory_space<vmem>>, vector<1x16xf32>,
      %swap3A_111 = vector.shape_cast %swap3A_110 : vector<1x16xf32> to vector<16xf32>
      %swap3A_112 = vector.shape_cast %broadcast_in_dim3A_107 : vector<16xf32> to vector<1x16xf32>
      tpu.vector_store %arg5[%swap3A_108, %swap3A_109], %swap3A_112 {strides = array<i32>} : memref<80x128xf32, #tpu.memory_space<vmem>>, vector<1x16xf32>,
      %broadcast_in_dim3A_113 = arith.constant 1.000000e+00 : f32
      %broadcast_in_dim3A_114 = vector.broadcast %broadcast_in_dim3A_113 : f32 to vector<16xf32>
      %swap3A_115 = arith.index_cast %scan3A_64 : i32 to index
      %swap3A_116 = arith.constant 112 : index
      %swap3A_117 = tpu.vector_load %arg5[%swap3A_115, %swap3A_116] {strides = array<i32>} : memref<80x128xf32, #tpu.memory_space<vmem>>, vector<1x16xf32>,
      %swap3A_118 = vector.shape_cast %swap3A_117 : vector<1x16xf32> to vector<16xf32>
      %swap3A_119 = vector.shape_cast %broadcast_in_dim3A_114 : vector<16xf32> to vector<1x16xf32>
      tpu.vector_store %arg5[%swap3A_115, %swap3A_116], %swap3A_119 {strides = array<i32>} : memref<80x128xf32, #tpu.memory_space<vmem>>, vector<1x16xf32>,
      %scan3A_120 = arith.constant 0 : i32
      scf.yield %scan3A_120 : i32
    }
    %scan3A_6 = arith.constant 80 : i32
    %scan3A_7 = arith.constant 0 : i32
    %scan3A_8 = arith.constant 0 : i32
    %scan3A_9 = arith.constant 128 : i32
    %scan3A_10 = arith.addi %scan3A_8, %scan3A_9 : i32
    %scan3A_11 = arith.constant 1 : i32
    %scan3A_12 = scf.for %scan3A_64 = %scan3A_8 to %scan3A_10 step %scan3A_11 iter_args(%scan3A_65 = %scan3A_7) -> (i32)  : i32 {
      %broadcast_in_dim3A = arith.constant 0.000000e+00 : f32
      %broadcast_in_dim3A_66 = vector.broadcast %broadcast_in_dim3A : f32 to vector<16xf32>
      %swap3A = arith.index_cast %scan3A_64 : i32 to index
      %swap3A_67 = arith.constant 0 : index
      %swap3A_68 = tpu.vector_load %arg6[%swap3A, %swap3A_67] {strides = array<i32>} : memref<128x128xf32, #tpu.memory_space<vmem>>, vector<1x16xf32>,
      %swap3A_69 = vector.shape_cast %swap3A_68 : vector<1x16xf32> to vector<16xf32>
      %swap3A_70 = vector.shape_cast %broadcast_in_dim3A_66 : vector<16xf32> to vector<1x16xf32>
      tpu.vector_store %arg6[%swap3A, %swap3A_67], %swap3A_70 {strides = array<i32>} : memref<128x128xf32, #tpu.memory_space<vmem>>, vector<1x16xf32>,
      %broadcast_in_dim3A_71 = arith.constant 0.000000e+00 : f32
      %broadcast_in_dim3A_72 = vector.broadcast %broadcast_in_dim3A_71 : f32 to vector<16xf32>
      %swap3A_73 = arith.index_cast %scan3A_64 : i32 to index
      %swap3A_74 = arith.constant 16 : index
      %swap3A_75 = tpu.vector_load %arg6[%swap3A_73, %swap3A_74] {strides = array<i32>} : memref<128x128xf32, #tpu.memory_space<vmem>>, vector<1x16xf32>,
      %swap3A_76 = vector.shape_cast %swap3A_75 : vector<1x16xf32> to vector<16xf32>
      %swap3A_77 = vector.shape_cast %broadcast_in_dim3A_72 : vector<16xf32> to vector<1x16xf32>
      tpu.vector_store %arg6[%swap3A_73, %swap3A_74], %swap3A_77 {strides = array<i32>} : memref<128x128xf32, #tpu.memory_space<vmem>>, vector<1x16xf32>,
      %broadcast_in_dim3A_78 = arith.constant 0.000000e+00 : f32
      %broadcast_in_dim3A_79 = vector.broadcast %broadcast_in_dim3A_78 : f32 to vector<16xf32>
      %swap3A_80 = arith.index_cast %scan3A_64 : i32 to index
      %swap3A_81 = arith.constant 32 : index
      %swap3A_82 = tpu.vector_load %arg6[%swap3A_80, %swap3A_81] {strides = array<i32>} : memref<128x128xf32, #tpu.memory_space<vmem>>, vector<1x16xf32>,
      %swap3A_83 = vector.shape_cast %swap3A_82 : vector<1x16xf32> to vector<16xf32>
      %swap3A_84 = vector.shape_cast %broadcast_in_dim3A_79 : vector<16xf32> to vector<1x16xf32>
      tpu.vector_store %arg6[%swap3A_80, %swap3A_81], %swap3A_84 {strides = array<i32>} : memref<128x128xf32, #tpu.memory_space<vmem>>, vector<1x16xf32>,
      %broadcast_in_dim3A_85 = arith.constant 0.000000e+00 : f32
      %broadcast_in_dim3A_86 = vector.broadcast %broadcast_in_dim3A_85 : f32 to vector<16xf32>
      %swap3A_87 = arith.index_cast %scan3A_64 : i32 to index
      %swap3A_88 = arith.constant 48 : index
      %swap3A_89 = tpu.vector_load %arg6[%swap3A_87, %swap3A_88] {strides = array<i32>} : memref<128x128xf32, #tpu.memory_space<vmem>>, vector<1x16xf32>,
      %swap3A_90 = vector.shape_cast %swap3A_89 : vector<1x16xf32> to vector<16xf32>
      %swap3A_91 = vector.shape_cast %broadcast_in_dim3A_86 : vector<16xf32> to vector<1x16xf32>
      tpu.vector_store %arg6[%swap3A_87, %swap3A_88], %swap3A_91 {strides = array<i32>} : memref<128x128xf32, #tpu.memory_space<vmem>>, vector<1x16xf32>,
      %broadcast_in_dim3A_92 = arith.constant 0.000000e+00 : f32
      %broadcast_in_dim3A_93 = vector.broadcast %broadcast_in_dim3A_92 : f32 to vector<16xf32>
      %swap3A_94 = arith.index_cast %scan3A_64 : i32 to index
      %swap3A_95 = arith.constant 64 : index
      %swap3A_96 = tpu.vector_load %arg6[%swap3A_94, %swap3A_95] {strides = array<i32>} : memref<128x128xf32, #tpu.memory_space<vmem>>, vector<1x16xf32>,
      %swap3A_97 = vector.shape_cast %swap3A_96 : vector<1x16xf32> to vector<16xf32>
      %swap3A_98 = vector.shape_cast %broadcast_in_dim3A_93 : vector<16xf32> to vector<1x16xf32>
      tpu.vector_store %arg6[%swap3A_94, %swap3A_95], %swap3A_98 {strides = array<i32>} : memref<128x128xf32, #tpu.memory_space<vmem>>, vector<1x16xf32>,
      %broadcast_in_dim3A_99 = arith.constant 0.000000e+00 : f32
      %broadcast_in_dim3A_100 = vector.broadcast %broadcast_in_dim3A_99 : f32 to vector<16xf32>
      %swap3A_101 = arith.index_cast %scan3A_64 : i32 to index
      %swap3A_102 = arith.constant 80 : index
      %swap3A_103 = tpu.vector_load %arg6[%swap3A_101, %swap3A_102] {strides = array<i32>} : memref<128x128xf32, #tpu.memory_space<vmem>>, vector<1x16xf32>,
      %swap3A_104 = vector.shape_cast %swap3A_103 : vector<1x16xf32> to vector<16xf32>
      %swap3A_105 = vector.shape_cast %broadcast_in_dim3A_100 : vector<16xf32> to vector<1x16xf32>
      tpu.vector_store %arg6[%swap3A_101, %swap3A_102], %swap3A_105 {strides = array<i32>} : memref<128x128xf32, #tpu.memory_space<vmem>>, vector<1x16xf32>,
      %broadcast_in_dim3A_106 = arith.constant 0.000000e+00 : f32
      %broadcast_in_dim3A_107 = vector.broadcast %broadcast_in_dim3A_106 : f32 to vector<16xf32>
      %swap3A_108 = arith.index_cast %scan3A_64 : i32 to index
      %swap3A_109 = arith.constant 96 : index
      %swap3A_110 = tpu.vector_load %arg6[%swap3A_108, %swap3A_109] {strides = array<i32>} : memref<128x128xf32, #tpu.memory_space<vmem>>, vector<1x16xf32>,
      %swap3A_111 = vector.shape_cast %swap3A_110 : vector<1x16xf32> to vector<16xf32>
      %swap3A_112 = vector.shape_cast %broadcast_in_dim3A_107 : vector<16xf32> to vector<1x16xf32>
      tpu.vector_store %arg6[%swap3A_108, %swap3A_109], %swap3A_112 {strides = array<i32>} : memref<128x128xf32, #tpu.memory_space<vmem>>, vector<1x16xf32>,
      %broadcast_in_dim3A_113 = arith.constant 0.000000e+00 : f32
      %broadcast_in_dim3A_114 = vector.broadcast %broadcast_in_dim3A_113 : f32 to vector<16xf32>
      %swap3A_115 = arith.index_cast %scan3A_64 : i32 to index
      %swap3A_116 = arith.constant 112 : index
      %swap3A_117 = tpu.vector_load %arg6[%swap3A_115, %swap3A_116] {strides = array<i32>} : memref<128x128xf32, #tpu.memory_space<vmem>>, vector<1x16xf32>,
      %swap3A_118 = vector.shape_cast %swap3A_117 : vector<1x16xf32> to vector<16xf32>
      %swap3A_119 = vector.shape_cast %broadcast_in_dim3A_114 : vector<16xf32> to vector<1x16xf32>
      tpu.vector_store %arg6[%swap3A_115, %swap3A_116], %swap3A_119 {strides = array<i32>} : memref<128x128xf32, #tpu.memory_space<vmem>>, vector<1x16xf32>,
      %scan3A_120 = arith.constant 0 : i32
      scf.yield %scan3A_120 : i32
    }
    %scan3A_13 = arith.constant 128 : i32
    %mul3A_14 = arith.constant 640 : i32
    %mul3A_15 = arith.muli %arg1, %mul3A_14 : i32
    %add3A_16 = arith.constant 0 : i32
    %add3A_17 = arith.addi %mul3A_15, %add3A_16 : i32
    "tpu.region"() ({
      %run_scoped3A = tpu.sem_alloc : memref<!tpu.dma_semaphore, #tpu.memory_space<semaphore_mem>>
      %dma_start3A = arith.constant 0 : i32
      %dma_start3A_64 = tpu.memref_slice %arg7[%add3A_17, %dma_start3A] : memref<10240x128xf32, #tpu.memory_space<vmem_shared>> -> memref<128x128xf32, #tpu.memory_space<vmem_shared>>
      %dma_start3A_65 = arith.constant 0 : i32
      %dma_start3A_66 = tpu.memref_slice %arg7[%add3A_17, %dma_start3A_65] : memref<10240x128xf32, #tpu.memory_space<vmem_shared>> -> memref<128x128xf32, #tpu.memory_space<vmem_shared>>
      tpu.enqueue_dma source(%arg6 : memref<128x128xf32, #tpu.memory_space<vmem>>) target(%dma_start3A_66 : memref<128x128xf32, #tpu.memory_space<vmem_shared>>) target_semaphore(%run_scoped3A : memref<!tpu.dma_semaphore, #tpu.memory_space<semaphore_mem>>)
      %dma_wait3A = arith.constant 0 : i32
      %dma_wait3A_67 = tpu.memref_slice %arg7[%add3A_17, %dma_wait3A] : memref<10240x128xf32, #tpu.memory_space<vmem_shared>> -> memref<128x128xf32, #tpu.memory_space<vmem_shared>>
      %dma_wait3A_68 = arith.constant 0 : i32
      %dma_wait3A_69 = tpu.memref_slice %arg7[%add3A_17, %dma_wait3A_68] : memref<10240x128xf32, #tpu.memory_space<vmem_shared>> -> memref<128x128xf32, #tpu.memory_space<vmem_shared>>
      tpu.wait_dma2 semaphore(%run_scoped3A : memref<!tpu.dma_semaphore, #tpu.memory_space<semaphore_mem>>) src(%arg6 : memref<128x128xf32, #tpu.memory_space<vmem>>) dst(%dma_wait3A_69 : memref<128x128xf32, #tpu.memory_space<vmem_shared>>)
      tpu.yield
    }) : () -> ()
    %mul3A_18 = arith.constant 640 : i32
    %mul3A_19 = arith.muli %arg1, %mul3A_18 : i32
    %add3A_20 = arith.constant 128 : i32
    %add3A_21 = arith.addi %mul3A_19, %add3A_20 : i32
    "tpu.region"() ({
      %run_scoped3A = tpu.sem_alloc : memref<!tpu.dma_semaphore, #tpu.memory_space<semaphore_mem>>
      %dma_start3A = arith.constant 0 : i32
      %dma_start3A_64 = tpu.memref_slice %arg7[%add3A_21, %dma_start3A] : memref<10240x128xf32, #tpu.memory_space<vmem_shared>> -> memref<128x128xf32, #tpu.memory_space<vmem_shared>>
      %dma_start3A_65 = arith.constant 0 : i32
      %dma_start3A_66 = tpu.memref_slice %arg7[%add3A_21, %dma_start3A_65] : memref<10240x128xf32, #tpu.memory_space<vmem_shared>> -> memref<128x128xf32, #tpu.memory_space<vmem_shared>>
      tpu.enqueue_dma source(%arg6 : memref<128x128xf32, #tpu.memory_space<vmem>>) target(%dma_start3A_66 : memref<128x128xf32, #tpu.memory_space<vmem_shared>>) target_semaphore(%run_scoped3A : memref<!tpu.dma_semaphore, #tpu.memory_space<semaphore_mem>>)
      %dma_wait3A = arith.constant 0 : i32
      %dma_wait3A_67 = tpu.memref_slice %arg7[%add3A_21, %dma_wait3A] : memref<10240x128xf32, #tpu.memory_space<vmem_shared>> -> memref<128x128xf32, #tpu.memory_space<vmem_shared>>
      %dma_wait3A_68 = arith.constant 0 : i32
      %dma_wait3A_69 = tpu.memref_slice %arg7[%add3A_21, %dma_wait3A_68] : memref<10240x128xf32, #tpu.memory_space<vmem_shared>> -> memref<128x128xf32, #tpu.memory_space<vmem_shared>>
      tpu.wait_dma2 semaphore(%run_scoped3A : memref<!tpu.dma_semaphore, #tpu.memory_space<semaphore_mem>>) src(%arg6 : memref<128x128xf32, #tpu.memory_space<vmem>>) dst(%dma_wait3A_69 : memref<128x128xf32, #tpu.memory_space<vmem_shared>>)
      tpu.yield
    }) : () -> ()
    %mul3A_22 = arith.constant 640 : i32
    %mul3A_23 = arith.muli %arg1, %mul3A_22 : i32
    %add3A_24 = arith.constant 256 : i32
    %add3A_25 = arith.addi %mul3A_23, %add3A_24 : i32
    "tpu.region"() ({
      %run_scoped3A = tpu.sem_alloc : memref<!tpu.dma_semaphore, #tpu.memory_space<semaphore_mem>>
      %dma_start3A = arith.constant 0 : i32
      %dma_start3A_64 = tpu.memref_slice %arg7[%add3A_25, %dma_start3A] : memref<10240x128xf32, #tpu.memory_space<vmem_shared>> -> memref<128x128xf32, #tpu.memory_space<vmem_shared>>
      %dma_start3A_65 = arith.constant 0 : i32
      %dma_start3A_66 = tpu.memref_slice %arg7[%add3A_25, %dma_start3A_65] : memref<10240x128xf32, #tpu.memory_space<vmem_shared>> -> memref<128x128xf32, #tpu.memory_space<vmem_shared>>
      tpu.enqueue_dma source(%arg6 : memref<128x128xf32, #tpu.memory_space<vmem>>) target(%dma_start3A_66 : memref<128x128xf32, #tpu.memory_space<vmem_shared>>) target_semaphore(%run_scoped3A : memref<!tpu.dma_semaphore, #tpu.memory_space<semaphore_mem>>)
      %dma_wait3A = arith.constant 0 : i32
      %dma_wait3A_67 = tpu.memref_slice %arg7[%add3A_25, %dma_wait3A] : memref<10240x128xf32, #tpu.memory_space<vmem_shared>> -> memref<128x128xf32, #tpu.memory_space<vmem_shared>>
      %dma_wait3A_68 = arith.constant 0 : i32
      %dma_wait3A_69 = tpu.memref_slice %arg7[%add3A_25, %dma_wait3A_68] : memref<10240x128xf32, #tpu.memory_space<vmem_shared>> -> memref<128x128xf32, #tpu.memory_space<vmem_shared>>
      tpu.wait_dma2 semaphore(%run_scoped3A : memref<!tpu.dma_semaphore, #tpu.memory_space<semaphore_mem>>) src(%arg6 : memref<128x128xf32, #tpu.memory_space<vmem>>) dst(%dma_wait3A_69 : memref<128x128xf32, #tpu.memory_space<vmem_shared>>)
      tpu.yield
    }) : () -> ()
    %mul3A_26 = arith.constant 640 : i32
    %mul3A_27 = arith.muli %arg1, %mul3A_26 : i32
    %add3A_28 = arith.constant 384 : i32
    %add3A_29 = arith.addi %mul3A_27, %add3A_28 : i32
    "tpu.region"() ({
      %run_scoped3A = tpu.sem_alloc : memref<!tpu.dma_semaphore, #tpu.memory_space<semaphore_mem>>
      %dma_start3A = arith.constant 0 : i32
      %dma_start3A_64 = tpu.memref_slice %arg7[%add3A_29, %dma_start3A] : memref<10240x128xf32, #tpu.memory_space<vmem_shared>> -> memref<128x128xf32, #tpu.memory_space<vmem_shared>>
      %dma_start3A_65 = arith.constant 0 : i32
      %dma_start3A_66 = tpu.memref_slice %arg7[%add3A_29, %dma_start3A_65] : memref<10240x128xf32, #tpu.memory_space<vmem_shared>> -> memref<128x128xf32, #tpu.memory_space<vmem_shared>>
      tpu.enqueue_dma source(%arg6 : memref<128x128xf32, #tpu.memory_space<vmem>>) target(%dma_start3A_66 : memref<128x128xf32, #tpu.memory_space<vmem_shared>>) target_semaphore(%run_scoped3A : memref<!tpu.dma_semaphore, #tpu.memory_space<semaphore_mem>>)
      %dma_wait3A = arith.constant 0 : i32
      %dma_wait3A_67 = tpu.memref_slice %arg7[%add3A_29, %dma_wait3A] : memref<10240x128xf32, #tpu.memory_space<vmem_shared>> -> memref<128x128xf32, #tpu.memory_space<vmem_shared>>
      %dma_wait3A_68 = arith.constant 0 : i32
      %dma_wait3A_69 = tpu.memref_slice %arg7[%add3A_29, %dma_wait3A_68] : memref<10240x128xf32, #tpu.memory_space<vmem_shared>> -> memref<128x128xf32, #tpu.memory_space<vmem_shared>>
      tpu.wait_dma2 semaphore(%run_scoped3A : memref<!tpu.dma_semaphore, #tpu.memory_space<semaphore_mem>>) src(%arg6 : memref<128x128xf32, #tpu.memory_space<vmem>>) dst(%dma_wait3A_69 : memref<128x128xf32, #tpu.memory_space<vmem_shared>>)
      tpu.yield
    }) : () -> ()
    %mul3A_30 = arith.constant 640 : i32
    %mul3A_31 = arith.muli %arg1, %mul3A_30 : i32
    %add3A_32 = arith.constant 512 : i32
    %add3A_33 = arith.addi %mul3A_31, %add3A_32 : i32
    "tpu.region"() ({
      %run_scoped3A = tpu.sem_alloc : memref<!tpu.dma_semaphore, #tpu.memory_space<semaphore_mem>>
      %dma_start3A = arith.constant 0 : i32
      %dma_start3A_64 = tpu.memref_slice %arg7[%add3A_33, %dma_start3A] : memref<10240x128xf32, #tpu.memory_space<vmem_shared>> -> memref<128x128xf32, #tpu.memory_space<vmem_shared>>
      %dma_start3A_65 = arith.constant 0 : i32
      %dma_start3A_66 = tpu.memref_slice %arg7[%add3A_33, %dma_start3A_65] : memref<10240x128xf32, #tpu.memory_space<vmem_shared>> -> memref<128x128xf32, #tpu.memory_space<vmem_shared>>
      tpu.enqueue_dma source(%arg6 : memref<128x128xf32, #tpu.memory_space<vmem>>) target(%dma_start3A_66 : memref<128x128xf32, #tpu.memory_space<vmem_shared>>) target_semaphore(%run_scoped3A : memref<!tpu.dma_semaphore, #tpu.memory_space<semaphore_mem>>)
      %dma_wait3A = arith.constant 0 : i32
      %dma_wait3A_67 = tpu.memref_slice %arg7[%add3A_33, %dma_wait3A] : memref<10240x128xf32, #tpu.memory_space<vmem_shared>> -> memref<128x128xf32, #tpu.memory_space<vmem_shared>>
      %dma_wait3A_68 = arith.constant 0 : i32
      %dma_wait3A_69 = tpu.memref_slice %arg7[%add3A_33, %dma_wait3A_68] : memref<10240x128xf32, #tpu.memory_space<vmem_shared>> -> memref<128x128xf32, #tpu.memory_space<vmem_shared>>
      tpu.wait_dma2 semaphore(%run_scoped3A : memref<!tpu.dma_semaphore, #tpu.memory_space<semaphore_mem>>) src(%arg6 : memref<128x128xf32, #tpu.memory_space<vmem>>) dst(%dma_wait3A_69 : memref<128x128xf32, #tpu.memory_space<vmem_shared>>)
      tpu.yield
    }) : () -> ()
    %barrier3A = arith.constant 0 : index
    tpu.barrier barrier_id(%barrier3A)
    %mul3A_34 = arith.constant 10000 : i32
    %mul3A_35 = arith.muli %add3A, %mul3A_34 : i32
    %scan3A_36 = arith.constant 0 : i32
    %scan3A_37 = arith.constant 0 : i32
    %scan3A_38 = arith.constant 125 : i32
    %scan3A_39 = arith.addi %scan3A_37, %scan3A_38 : i32
    %scan3A_40 = arith.constant 1 : i32
    %scan3A_41 = scf.for %scan3A_64 = %scan3A_37 to %scan3A_39 step %scan3A_40 iter_args(%scan3A_65 = %scan3A_36) -> (i32)  : i32 {
      %mul3A_66 = arith.constant 80 : i32
      %mul3A_67 = arith.muli %scan3A_64, %mul3A_66 : i32
      %add3A_68 = arith.addi %mul3A_35, %mul3A_67 : i32
      "tpu.region"() ({
        %run_scoped3A = tpu.sem_alloc : memref<!tpu.dma_semaphore, #tpu.memory_space<semaphore_mem>>
        %dma_start3A = tpu.memref_slice %arg2[%add3A_68] : memref<320000xi32, #tpu.memory_space<hbm>> -> memref<80xi32, #tpu.memory_space<hbm>>
        %dma_start3A_70 = tpu.memref_slice %arg2[%add3A_68] : memref<320000xi32, #tpu.memory_space<hbm>> -> memref<80xi32, #tpu.memory_space<hbm>>
        tpu.enqueue_dma source(%dma_start3A_70 : memref<80xi32, #tpu.memory_space<hbm>>) target(%arg4 : memref<80xi32, #tpu.memory_space<vmem>>) target_semaphore(%run_scoped3A : memref<!tpu.dma_semaphore, #tpu.memory_space<semaphore_mem>>)
        %dma_wait3A = tpu.memref_slice %arg2[%add3A_68] : memref<320000xi32, #tpu.memory_space<hbm>> -> memref<80xi32, #tpu.memory_space<hbm>>
        %dma_wait3A_71 = tpu.memref_slice %arg2[%add3A_68] : memref<320000xi32, #tpu.memory_space<hbm>> -> memref<80xi32, #tpu.memory_space<hbm>>
        tpu.wait_dma2 semaphore(%run_scoped3A : memref<!tpu.dma_semaphore, #tpu.memory_space<semaphore_mem>>) src(%dma_wait3A_71 : memref<80xi32, #tpu.memory_space<hbm>>) dst(%arg4 : memref<80xi32, #tpu.memory_space<vmem>>)
        tpu.yield
      }) : () -> ()
      "tpu.region"() ({
        %run_scoped3A = tpu.sem_alloc : memref<!tpu.dma_semaphore, #tpu.memory_space<semaphore_mem>>
        %dma_start3A = arith.constant 0 : i32
        %dma_start3A_70 = arith.constant 0 : i32
        %dma_start3A_71 = tpu.memref_slice %arg7[%dma_start3A, %dma_start3A_70] : memref<10240x128xf32, #tpu.memory_space<vmem_shared>> -> memref<10240x128xf32, #tpu.memory_space<vmem_shared>>
        tpu.enqueue_indirect_dma source(%arg5 : memref<80x128xf32, #tpu.memory_space<vmem>>) target(%dma_start3A_71 : memref<10240x128xf32, #tpu.memory_space<vmem_shared>>) offsets(%arg4 : memref<80xi32, #tpu.memory_space<vmem>>) semaphore(%run_scoped3A : memref<!tpu.dma_semaphore, #tpu.memory_space<semaphore_mem>>) {add = true}
        %dma_wait3A = arith.constant 0 : i32
        %dma_wait3A_72 = arith.constant 0 : i32
        %dma_wait3A_73 = tpu.memref_slice %arg7[%dma_wait3A, %dma_wait3A_72] : memref<10240x128xf32, #tpu.memory_space<vmem_shared>> -> memref<10240x128xf32, #tpu.memory_space<vmem_shared>>
        tpu.wait_indirect_dma semaphore(%run_scoped3A : memref<!tpu.dma_semaphore, #tpu.memory_space<semaphore_mem>>) src(%arg5 : memref<80x128xf32, #tpu.memory_space<vmem>>) dst(%dma_wait3A_73 : memref<10240x128xf32, #tpu.memory_space<vmem_shared>>)
        tpu.yield
      }) : () -> ()
      %scan3A_69 = arith.constant 0 : i32
      scf.yield %scan3A_69 : i32
    }
    %scan3A_42 = arith.constant 125 : i32
    %barrier3A_43 = arith.constant 0 : index
    tpu.barrier barrier_id(%barrier3A_43)
    %mul3A_44 = arith.constant 640 : i32
    %mul3A_45 = arith.muli %arg1, %mul3A_44 : i32
    %add3A_46 = arith.constant 0 : i32
    %add3A_47 = arith.addi %mul3A_45, %add3A_46 : i32
    "tpu.region"() ({
      %run_scoped3A = tpu.sem_alloc : memref<!tpu.dma_semaphore, #tpu.memory_space<semaphore_mem>>
      %dma_start3A = arith.constant 0 : i32
      %dma_start3A_64 = tpu.memref_slice %arg3[%arg0, %add3A_47, %dma_start3A] : memref<2x10240x128xf32, #tpu.memory_space<hbm>> -> memref<1x128x128xf32, #tpu.memory_space<hbm>>
      %dma_start3A_65 = tpu.memref_squeeze %dma_start3A_64 : memref<1x128x128xf32, #tpu.memory_space<hbm>> -> memref<128x128xf32, #tpu.memory_space<hbm>>
      %dma_start3A_66 = arith.constant 0 : i32
      %dma_start3A_67 = tpu.memref_slice %arg7[%add3A_47, %dma_start3A_66] : memref<10240x128xf32, #tpu.memory_space<vmem_shared>> -> memref<128x128xf32, #tpu.memory_space<vmem_shared>>
      tpu.enqueue_dma source(%dma_start3A_67 : memref<128x128xf32, #tpu.memory_space<vmem_shared>>) target(%dma_start3A_65 : memref<128x128xf32, #tpu.memory_space<hbm>>) target_semaphore(%run_scoped3A : memref<!tpu.dma_semaphore, #tpu.memory_space<semaphore_mem>>)
      %dma_wait3A = arith.constant 0 : i32
      %dma_wait3A_68 = tpu.memref_slice %arg3[%arg0, %add3A_47, %dma_wait3A] : memref<2x10240x128xf32, #tpu.memory_space<hbm>> -> memref<1x128x128xf32, #tpu.memory_space<hbm>>
      %dma_wait3A_69 = tpu.memref_squeeze %dma_wait3A_68 : memref<1x128x128xf32, #tpu.memory_space<hbm>> -> memref<128x128xf32, #tpu.memory_space<hbm>>
      %dma_wait3A_70 = arith.constant 0 : i32
      %dma_wait3A_71 = tpu.memref_slice %arg7[%add3A_47, %dma_wait3A_70] : memref<10240x128xf32, #tpu.memory_space<vmem_shared>> -> memref<128x128xf32, #tpu.memory_space<vmem_shared>>
      tpu.wait_dma2 semaphore(%run_scoped3A : memref<!tpu.dma_semaphore, #tpu.memory_space<semaphore_mem>>) src(%dma_wait3A_71 : memref<128x128xf32, #tpu.memory_space<vmem_shared>>) dst(%dma_wait3A_69 : memref<128x128xf32, #tpu.memory_space<hbm>>)
      tpu.yield
    }) : () -> ()
    %mul3A_48 = arith.constant 640 : i32
    %mul3A_49 = arith.muli %arg1, %mul3A_48 : i32
    %add3A_50 = arith.constant 128 : i32
    %add3A_51 = arith.addi %mul3A_49, %add3A_50 : i32
    "tpu.region"() ({
      %run_scoped3A = tpu.sem_alloc : memref<!tpu.dma_semaphore, #tpu.memory_space<semaphore_mem>>
      %dma_start3A = arith.constant 0 : i32
      %dma_start3A_64 = tpu.memref_slice %arg3[%arg0, %add3A_51, %dma_start3A] : memref<2x10240x128xf32, #tpu.memory_space<hbm>> -> memref<1x128x128xf32, #tpu.memory_space<hbm>>
      %dma_start3A_65 = tpu.memref_squeeze %dma_start3A_64 : memref<1x128x128xf32, #tpu.memory_space<hbm>> -> memref<128x128xf32, #tpu.memory_space<hbm>>
      %dma_start3A_66 = arith.constant 0 : i32
      %dma_start3A_67 = tpu.memref_slice %arg7[%add3A_51, %dma_start3A_66] : memref<10240x128xf32, #tpu.memory_space<vmem_shared>> -> memref<128x128xf32, #tpu.memory_space<vmem_shared>>
      tpu.enqueue_dma source(%dma_start3A_67 : memref<128x128xf32, #tpu.memory_space<vmem_shared>>) target(%dma_start3A_65 : memref<128x128xf32, #tpu.memory_space<hbm>>) target_semaphore(%run_scoped3A : memref<!tpu.dma_semaphore, #tpu.memory_space<semaphore_mem>>)
      %dma_wait3A = arith.constant 0 : i32
      %dma_wait3A_68 = tpu.memref_slice %arg3[%arg0, %add3A_51, %dma_wait3A] : memref<2x10240x128xf32, #tpu.memory_space<hbm>> -> memref<1x128x128xf32, #tpu.memory_space<hbm>>
      %dma_wait3A_69 = tpu.memref_squeeze %dma_wait3A_68 : memref<1x128x128xf32, #tpu.memory_space<hbm>> -> memref<128x128xf32, #tpu.memory_space<hbm>>
      %dma_wait3A_70 = arith.constant 0 : i32
      %dma_wait3A_71 = tpu.memref_slice %arg7[%add3A_51, %dma_wait3A_70] : memref<10240x128xf32, #tpu.memory_space<vmem_shared>> -> memref<128x128xf32, #tpu.memory_space<vmem_shared>>
      tpu.wait_dma2 semaphore(%run_scoped3A : memref<!tpu.dma_semaphore, #tpu.memory_space<semaphore_mem>>) src(%dma_wait3A_71 : memref<128x128xf32, #tpu.memory_space<vmem_shared>>) dst(%dma_wait3A_69 : memref<128x128xf32, #tpu.memory_space<hbm>>)
      tpu.yield
    }) : () -> ()
    %mul3A_52 = arith.constant 640 : i32
    %mul3A_53 = arith.muli %arg1, %mul3A_52 : i32
    %add3A_54 = arith.constant 256 : i32
    %add3A_55 = arith.addi %mul3A_53, %add3A_54 : i32
    "tpu.region"() ({
      %run_scoped3A = tpu.sem_alloc : memref<!tpu.dma_semaphore, #tpu.memory_space<semaphore_mem>>
      %dma_start3A = arith.constant 0 : i32
      %dma_start3A_64 = tpu.memref_slice %arg3[%arg0, %add3A_55, %dma_start3A] : memref<2x10240x128xf32, #tpu.memory_space<hbm>> -> memref<1x128x128xf32, #tpu.memory_space<hbm>>
      %dma_start3A_65 = tpu.memref_squeeze %dma_start3A_64 : memref<1x128x128xf32, #tpu.memory_space<hbm>> -> memref<128x128xf32, #tpu.memory_space<hbm>>
      %dma_start3A_66 = arith.constant 0 : i32
      %dma_start3A_67 = tpu.memref_slice %arg7[%add3A_55, %dma_start3A_66] : memref<10240x128xf32, #tpu.memory_space<vmem_shared>> -> memref<128x128xf32, #tpu.memory_space<vmem_shared>>
      tpu.enqueue_dma source(%dma_start3A_67 : memref<128x128xf32, #tpu.memory_space<vmem_shared>>) target(%dma_start3A_65 : memref<128x128xf32, #tpu.memory_space<hbm>>) target_semaphore(%run_scoped3A : memref<!tpu.dma_semaphore, #tpu.memory_space<semaphore_mem>>)
      %dma_wait3A = arith.constant 0 : i32
      %dma_wait3A_68 = tpu.memref_slice %arg3[%arg0, %add3A_55, %dma_wait3A] : memref<2x10240x128xf32, #tpu.memory_space<hbm>> -> memref<1x128x128xf32, #tpu.memory_space<hbm>>
      %dma_wait3A_69 = tpu.memref_squeeze %dma_wait3A_68 : memref<1x128x128xf32, #tpu.memory_space<hbm>> -> memref<128x128xf32, #tpu.memory_space<hbm>>
      %dma_wait3A_70 = arith.constant 0 : i32
      %dma_wait3A_71 = tpu.memref_slice %arg7[%add3A_55, %dma_wait3A_70] : memref<10240x128xf32, #tpu.memory_space<vmem_shared>> -> memref<128x128xf32, #tpu.memory_space<vmem_shared>>
      tpu.wait_dma2 semaphore(%run_scoped3A : memref<!tpu.dma_semaphore, #tpu.memory_space<semaphore_mem>>) src(%dma_wait3A_71 : memref<128x128xf32, #tpu.memory_space<vmem_shared>>) dst(%dma_wait3A_69 : memref<128x128xf32, #tpu.memory_space<hbm>>)
      tpu.yield
    }) : () -> ()
    %mul3A_56 = arith.constant 640 : i32
    %mul3A_57 = arith.muli %arg1, %mul3A_56 : i32
    %add3A_58 = arith.constant 384 : i32
    %add3A_59 = arith.addi %mul3A_57, %add3A_58 : i32
    "tpu.region"() ({
      %run_scoped3A = tpu.sem_alloc : memref<!tpu.dma_semaphore, #tpu.memory_space<semaphore_mem>>
      %dma_start3A = arith.constant 0 : i32
      %dma_start3A_64 = tpu.memref_slice %arg3[%arg0, %add3A_59, %dma_start3A] : memref<2x10240x128xf32, #tpu.memory_space<hbm>> -> memref<1x128x128xf32, #tpu.memory_space<hbm>>
      %dma_start3A_65 = tpu.memref_squeeze %dma_start3A_64 : memref<1x128x128xf32, #tpu.memory_space<hbm>> -> memref<128x128xf32, #tpu.memory_space<hbm>>
      %dma_start3A_66 = arith.constant 0 : i32
      %dma_start3A_67 = tpu.memref_slice %arg7[%add3A_59, %dma_start3A_66] : memref<10240x128xf32, #tpu.memory_space<vmem_shared>> -> memref<128x128xf32, #tpu.memory_space<vmem_shared>>
      tpu.enqueue_dma source(%dma_start3A_67 : memref<128x128xf32, #tpu.memory_space<vmem_shared>>) target(%dma_start3A_65 : memref<128x128xf32, #tpu.memory_space<hbm>>) target_semaphore(%run_scoped3A : memref<!tpu.dma_semaphore, #tpu.memory_space<semaphore_mem>>)
      %dma_wait3A = arith.constant 0 : i32
      %dma_wait3A_68 = tpu.memref_slice %arg3[%arg0, %add3A_59, %dma_wait3A] : memref<2x10240x128xf32, #tpu.memory_space<hbm>> -> memref<1x128x128xf32, #tpu.memory_space<hbm>>
      %dma_wait3A_69 = tpu.memref_squeeze %dma_wait3A_68 : memref<1x128x128xf32, #tpu.memory_space<hbm>> -> memref<128x128xf32, #tpu.memory_space<hbm>>
      %dma_wait3A_70 = arith.constant 0 : i32
      %dma_wait3A_71 = tpu.memref_slice %arg7[%add3A_59, %dma_wait3A_70] : memref<10240x128xf32, #tpu.memory_space<vmem_shared>> -> memref<128x128xf32, #tpu.memory_space<vmem_shared>>
      tpu.wait_dma2 semaphore(%run_scoped3A : memref<!tpu.dma_semaphore, #tpu.memory_space<semaphore_mem>>) src(%dma_wait3A_71 : memref<128x128xf32, #tpu.memory_space<vmem_shared>>) dst(%dma_wait3A_69 : memref<128x128xf32, #tpu.memory_space<hbm>>)
      tpu.yield
    }) : () -> ()
    %mul3A_60 = arith.constant 640 : i32
    %mul3A_61 = arith.muli %arg1, %mul3A_60 : i32
    %add3A_62 = arith.constant 512 : i32
    %add3A_63 = arith.addi %mul3A_61, %add3A_62 : i32
    "tpu.region"() ({
      %run_scoped3A = tpu.sem_alloc : memref<!tpu.dma_semaphore, #tpu.memory_space<semaphore_mem>>
      %dma_start3A = arith.constant 0 : i32
      %dma_start3A_64 = tpu.memref_slice %arg3[%arg0, %add3A_63, %dma_start3A] : memref<2x10240x128xf32, #tpu.memory_space<hbm>> -> memref<1x128x128xf32, #tpu.memory_space<hbm>>
      %dma_start3A_65 = tpu.memref_squeeze %dma_start3A_64 : memref<1x128x128xf32, #tpu.memory_space<hbm>> -> memref<128x128xf32, #tpu.memory_space<hbm>>
      %dma_start3A_66 = arith.constant 0 : i32
      %dma_start3A_67 = tpu.memref_slice %arg7[%add3A_63, %dma_start3A_66] : memref<10240x128xf32, #tpu.memory_space<vmem_shared>> -> memref<128x128xf32, #tpu.memory_space<vmem_shared>>
      tpu.enqueue_dma source(%dma_start3A_67 : memref<128x128xf32, #tpu.memory_space<vmem_shared>>) target(%dma_start3A_65 : memref<128x128xf32, #tpu.memory_space<hbm>>) target_semaphore(%run_scoped3A : memref<!tpu.dma_semaphore, #tpu.memory_space<semaphore_mem>>)
      %dma_wait3A = arith.constant 0 : i32
      %dma_wait3A_68 = tpu.memref_slice %arg3[%arg0, %add3A_63, %dma_wait3A] : memref<2x10240x128xf32, #tpu.memory_space<hbm>> -> memref<1x128x128xf32, #tpu.memory_space<hbm>>
      %dma_wait3A_69 = tpu.memref_squeeze %dma_wait3A_68 : memref<1x128x128xf32, #tpu.memory_space<hbm>> -> memref<128x128xf32, #tpu.memory_space<hbm>>
      %dma_wait3A_70 = arith.constant 0 : i32
      %dma_wait3A_71 = tpu.memref_slice %arg7[%add3A_63, %dma_wait3A_70] : memref<10240x128xf32, #tpu.memory_space<vmem_shared>> -> memref<128x128xf32, #tpu.memory_space<vmem_shared>>
      tpu.wait_dma2 semaphore(%run_scoped3A : memref<!tpu.dma_semaphore, #tpu.memory_space<semaphore_mem>>) src(%dma_wait3A_71 : memref<128x128xf32, #tpu.memory_space<vmem_shared>>) dst(%dma_wait3A_69 : memref<128x128xf32, #tpu.memory_space<hbm>>)
      tpu.yield
    }) : () -> ()
    return
  }
}

#map = affine_map<(d0, d1) -> (0, 0)>
#map1 = affine_map<(d0, d1) -> (0)>
#map2 = affine_map<(d0, d1) -> (0, 0, 0)>
module attributes {stable_mosaic.version = 14 : i64} {
  func.func @_sc_scatter(%arg0: i32, %arg1: i32, %arg2: memref<10000x128xf32, #tpu.memory_space<hbm>>, %arg3: memref<320000xi32, #tpu.memory_space<hbm>>, %arg4: memref<320000xi32, #tpu.memory_space<hbm>>, %arg5: memref<2x10240x128xf32, #tpu.memory_space<hbm>>, %arg6: memref<80xi32, #tpu.memory_space<vmem>>, %arg7: memref<80xi32, #tpu.memory_space<vmem>>, %arg8: memref<80x128xf32, #tpu.memory_space<vmem>>, %arg9: memref<128x128xf32, #tpu.memory_space<vmem>>, %arg10: memref<10240x128xf32, #tpu.memory_space<vmem_shared>>, %arg11: memref<!tpu.dma_semaphore, #tpu.memory_space<semaphore_mem>>) attributes {dimension_semantics = [#tpu.dimension_semantics<core_parallel>, #tpu.dimension_semantics<subcore_parallel>], iteration_bounds = array<i64: 2, 16>, scalar_prefetch = 0 : i64, scratch_operands = 6 : i64, tpu.core_type = #tpu.core_type<sc_vector_subcore>, window_params = [{transform_indices = #map}, {transform_indices = #map1}, {transform_indices = #map1}, {transform_indices = #map2}]} {
    %mul3A = arith.constant 2 : i32
    %mul3A_0 = arith.muli %arg1, %mul3A : i32
    %add3A = arith.addi %mul3A_0, %arg0 : i32
    %scan3A = arith.constant 0 : i32
    %scan3A_1 = arith.constant 0 : i32
    %scan3A_2 = arith.constant 128 : i32
    %scan3A_3 = arith.addi %scan3A_1, %scan3A_2 : i32
    %scan3A_4 = arith.constant 1 : i32
    %scan3A_5 = scf.for %scan3A_57 = %scan3A_1 to %scan3A_3 step %scan3A_4 iter_args(%scan3A_58 = %scan3A) -> (i32)  : i32 {
      %broadcast_in_dim3A = arith.constant 0.000000e+00 : f32
      %broadcast_in_dim3A_59 = vector.broadcast %broadcast_in_dim3A : f32 to vector<16xf32>
      %swap3A = arith.index_cast %scan3A_57 : i32 to index
      %swap3A_60 = arith.constant 0 : index
      %swap3A_61 = tpu.vector_load %arg9[%swap3A, %swap3A_60] {strides = array<i32>} : memref<128x128xf32, #tpu.memory_space<vmem>>, vector<1x16xf32>,
      %swap3A_62 = vector.shape_cast %swap3A_61 : vector<1x16xf32> to vector<16xf32>
      %swap3A_63 = vector.shape_cast %broadcast_in_dim3A_59 : vector<16xf32> to vector<1x16xf32>
      tpu.vector_store %arg9[%swap3A, %swap3A_60], %swap3A_63 {strides = array<i32>} : memref<128x128xf32, #tpu.memory_space<vmem>>, vector<1x16xf32>,
      %broadcast_in_dim3A_64 = arith.constant 0.000000e+00 : f32
      %broadcast_in_dim3A_65 = vector.broadcast %broadcast_in_dim3A_64 : f32 to vector<16xf32>
      %swap3A_66 = arith.index_cast %scan3A_57 : i32 to index
      %swap3A_67 = arith.constant 16 : index
      %swap3A_68 = tpu.vector_load %arg9[%swap3A_66, %swap3A_67] {strides = array<i32>} : memref<128x128xf32, #tpu.memory_space<vmem>>, vector<1x16xf32>,
      %swap3A_69 = vector.shape_cast %swap3A_68 : vector<1x16xf32> to vector<16xf32>
      %swap3A_70 = vector.shape_cast %broadcast_in_dim3A_65 : vector<16xf32> to vector<1x16xf32>
      tpu.vector_store %arg9[%swap3A_66, %swap3A_67], %swap3A_70 {strides = array<i32>} : memref<128x128xf32, #tpu.memory_space<vmem>>, vector<1x16xf32>,
      %broadcast_in_dim3A_71 = arith.constant 0.000000e+00 : f32
      %broadcast_in_dim3A_72 = vector.broadcast %broadcast_in_dim3A_71 : f32 to vector<16xf32>
      %swap3A_73 = arith.index_cast %scan3A_57 : i32 to index
      %swap3A_74 = arith.constant 32 : index
      %swap3A_75 = tpu.vector_load %arg9[%swap3A_73, %swap3A_74] {strides = array<i32>} : memref<128x128xf32, #tpu.memory_space<vmem>>, vector<1x16xf32>,
      %swap3A_76 = vector.shape_cast %swap3A_75 : vector<1x16xf32> to vector<16xf32>
      %swap3A_77 = vector.shape_cast %broadcast_in_dim3A_72 : vector<16xf32> to vector<1x16xf32>
      tpu.vector_store %arg9[%swap3A_73, %swap3A_74], %swap3A_77 {strides = array<i32>} : memref<128x128xf32, #tpu.memory_space<vmem>>, vector<1x16xf32>,
      %broadcast_in_dim3A_78 = arith.constant 0.000000e+00 : f32
      %broadcast_in_dim3A_79 = vector.broadcast %broadcast_in_dim3A_78 : f32 to vector<16xf32>
      %swap3A_80 = arith.index_cast %scan3A_57 : i32 to index
      %swap3A_81 = arith.constant 48 : index
      %swap3A_82 = tpu.vector_load %arg9[%swap3A_80, %swap3A_81] {strides = array<i32>} : memref<128x128xf32, #tpu.memory_space<vmem>>, vector<1x16xf32>,
      %swap3A_83 = vector.shape_cast %swap3A_82 : vector<1x16xf32> to vector<16xf32>
      %swap3A_84 = vector.shape_cast %broadcast_in_dim3A_79 : vector<16xf32> to vector<1x16xf32>
      tpu.vector_store %arg9[%swap3A_80, %swap3A_81], %swap3A_84 {strides = array<i32>} : memref<128x128xf32, #tpu.memory_space<vmem>>, vector<1x16xf32>,
      %broadcast_in_dim3A_85 = arith.constant 0.000000e+00 : f32
      %broadcast_in_dim3A_86 = vector.broadcast %broadcast_in_dim3A_85 : f32 to vector<16xf32>
      %swap3A_87 = arith.index_cast %scan3A_57 : i32 to index
      %swap3A_88 = arith.constant 64 : index
      %swap3A_89 = tpu.vector_load %arg9[%swap3A_87, %swap3A_88] {strides = array<i32>} : memref<128x128xf32, #tpu.memory_space<vmem>>, vector<1x16xf32>,
      %swap3A_90 = vector.shape_cast %swap3A_89 : vector<1x16xf32> to vector<16xf32>
      %swap3A_91 = vector.shape_cast %broadcast_in_dim3A_86 : vector<16xf32> to vector<1x16xf32>
      tpu.vector_store %arg9[%swap3A_87, %swap3A_88], %swap3A_91 {strides = array<i32>} : memref<128x128xf32, #tpu.memory_space<vmem>>, vector<1x16xf32>,
      %broadcast_in_dim3A_92 = arith.constant 0.000000e+00 : f32
      %broadcast_in_dim3A_93 = vector.broadcast %broadcast_in_dim3A_92 : f32 to vector<16xf32>
      %swap3A_94 = arith.index_cast %scan3A_57 : i32 to index
      %swap3A_95 = arith.constant 80 : index
      %swap3A_96 = tpu.vector_load %arg9[%swap3A_94, %swap3A_95] {strides = array<i32>} : memref<128x128xf32, #tpu.memory_space<vmem>>, vector<1x16xf32>,
      %swap3A_97 = vector.shape_cast %swap3A_96 : vector<1x16xf32> to vector<16xf32>
      %swap3A_98 = vector.shape_cast %broadcast_in_dim3A_93 : vector<16xf32> to vector<1x16xf32>
      tpu.vector_store %arg9[%swap3A_94, %swap3A_95], %swap3A_98 {strides = array<i32>} : memref<128x128xf32, #tpu.memory_space<vmem>>, vector<1x16xf32>,
      %broadcast_in_dim3A_99 = arith.constant 0.000000e+00 : f32
      %broadcast_in_dim3A_100 = vector.broadcast %broadcast_in_dim3A_99 : f32 to vector<16xf32>
      %swap3A_101 = arith.index_cast %scan3A_57 : i32 to index
      %swap3A_102 = arith.constant 96 : index
      %swap3A_103 = tpu.vector_load %arg9[%swap3A_101, %swap3A_102] {strides = array<i32>} : memref<128x128xf32, #tpu.memory_space<vmem>>, vector<1x16xf32>,
      %swap3A_104 = vector.shape_cast %swap3A_103 : vector<1x16xf32> to vector<16xf32>
      %swap3A_105 = vector.shape_cast %broadcast_in_dim3A_100 : vector<16xf32> to vector<1x16xf32>
      tpu.vector_store %arg9[%swap3A_101, %swap3A_102], %swap3A_105 {strides = array<i32>} : memref<128x128xf32, #tpu.memory_space<vmem>>, vector<1x16xf32>,
      %broadcast_in_dim3A_106 = arith.constant 0.000000e+00 : f32
      %broadcast_in_dim3A_107 = vector.broadcast %broadcast_in_dim3A_106 : f32 to vector<16xf32>
      %swap3A_108 = arith.index_cast %scan3A_57 : i32 to index
      %swap3A_109 = arith.constant 112 : index
      %swap3A_110 = tpu.vector_load %arg9[%swap3A_108, %swap3A_109] {strides = array<i32>} : memref<128x128xf32, #tpu.memory_space<vmem>>, vector<1x16xf32>,
      %swap3A_111 = vector.shape_cast %swap3A_110 : vector<1x16xf32> to vector<16xf32>
      %swap3A_112 = vector.shape_cast %broadcast_in_dim3A_107 : vector<16xf32> to vector<1x16xf32>
      tpu.vector_store %arg9[%swap3A_108, %swap3A_109], %swap3A_112 {strides = array<i32>} : memref<128x128xf32, #tpu.memory_space<vmem>>, vector<1x16xf32>,
      %scan3A_113 = arith.constant 0 : i32
      scf.yield %scan3A_113 : i32
    }
    %scan3A_6 = arith.constant 128 : i32
    %mul3A_7 = arith.constant 640 : i32
    %mul3A_8 = arith.muli %arg1, %mul3A_7 : i32
    %add3A_9 = arith.constant 0 : i32
    %add3A_10 = arith.addi %mul3A_8, %add3A_9 : i32
    "tpu.region"() ({
      %run_scoped3A = tpu.sem_alloc : memref<!tpu.dma_semaphore, #tpu.memory_space<semaphore_mem>>
      %dma_start3A = arith.constant 0 : i32
      %dma_start3A_57 = tpu.memref_slice %arg10[%add3A_10, %dma_start3A] : memref<10240x128xf32, #tpu.memory_space<vmem_shared>> -> memref<128x128xf32, #tpu.memory_space<vmem_shared>>
      %dma_start3A_58 = arith.constant 0 : i32
      %dma_start3A_59 = tpu.memref_slice %arg10[%add3A_10, %dma_start3A_58] : memref<10240x128xf32, #tpu.memory_space<vmem_shared>> -> memref<128x128xf32, #tpu.memory_space<vmem_shared>>
      tpu.enqueue_dma source(%arg9 : memref<128x128xf32, #tpu.memory_space<vmem>>) target(%dma_start3A_59 : memref<128x128xf32, #tpu.memory_space<vmem_shared>>) target_semaphore(%run_scoped3A : memref<!tpu.dma_semaphore, #tpu.memory_space<semaphore_mem>>)
      %dma_wait3A = arith.constant 0 : i32
      %dma_wait3A_60 = tpu.memref_slice %arg10[%add3A_10, %dma_wait3A] : memref<10240x128xf32, #tpu.memory_space<vmem_shared>> -> memref<128x128xf32, #tpu.memory_space<vmem_shared>>
      %dma_wait3A_61 = arith.constant 0 : i32
      %dma_wait3A_62 = tpu.memref_slice %arg10[%add3A_10, %dma_wait3A_61] : memref<10240x128xf32, #tpu.memory_space<vmem_shared>> -> memref<128x128xf32, #tpu.memory_space<vmem_shared>>
      tpu.wait_dma2 semaphore(%run_scoped3A : memref<!tpu.dma_semaphore, #tpu.memory_space<semaphore_mem>>) src(%arg9 : memref<128x128xf32, #tpu.memory_space<vmem>>) dst(%dma_wait3A_62 : memref<128x128xf32, #tpu.memory_space<vmem_shared>>)
      tpu.yield
    }) : () -> ()
    %mul3A_11 = arith.constant 640 : i32
    %mul3A_12 = arith.muli %arg1, %mul3A_11 : i32
    %add3A_13 = arith.constant 128 : i32
    %add3A_14 = arith.addi %mul3A_12, %add3A_13 : i32
    "tpu.region"() ({
      %run_scoped3A = tpu.sem_alloc : memref<!tpu.dma_semaphore, #tpu.memory_space<semaphore_mem>>
      %dma_start3A = arith.constant 0 : i32
      %dma_start3A_57 = tpu.memref_slice %arg10[%add3A_14, %dma_start3A] : memref<10240x128xf32, #tpu.memory_space<vmem_shared>> -> memref<128x128xf32, #tpu.memory_space<vmem_shared>>
      %dma_start3A_58 = arith.constant 0 : i32
      %dma_start3A_59 = tpu.memref_slice %arg10[%add3A_14, %dma_start3A_58] : memref<10240x128xf32, #tpu.memory_space<vmem_shared>> -> memref<128x128xf32, #tpu.memory_space<vmem_shared>>
      tpu.enqueue_dma source(%arg9 : memref<128x128xf32, #tpu.memory_space<vmem>>) target(%dma_start3A_59 : memref<128x128xf32, #tpu.memory_space<vmem_shared>>) target_semaphore(%run_scoped3A : memref<!tpu.dma_semaphore, #tpu.memory_space<semaphore_mem>>)
      %dma_wait3A = arith.constant 0 : i32
      %dma_wait3A_60 = tpu.memref_slice %arg10[%add3A_14, %dma_wait3A] : memref<10240x128xf32, #tpu.memory_space<vmem_shared>> -> memref<128x128xf32, #tpu.memory_space<vmem_shared>>
      %dma_wait3A_61 = arith.constant 0 : i32
      %dma_wait3A_62 = tpu.memref_slice %arg10[%add3A_14, %dma_wait3A_61] : memref<10240x128xf32, #tpu.memory_space<vmem_shared>> -> memref<128x128xf32, #tpu.memory_space<vmem_shared>>
      tpu.wait_dma2 semaphore(%run_scoped3A : memref<!tpu.dma_semaphore, #tpu.memory_space<semaphore_mem>>) src(%arg9 : memref<128x128xf32, #tpu.memory_space<vmem>>) dst(%dma_wait3A_62 : memref<128x128xf32, #tpu.memory_space<vmem_shared>>)
      tpu.yield
    }) : () -> ()
    %mul3A_15 = arith.constant 640 : i32
    %mul3A_16 = arith.muli %arg1, %mul3A_15 : i32
    %add3A_17 = arith.constant 256 : i32
    %add3A_18 = arith.addi %mul3A_16, %add3A_17 : i32
    "tpu.region"() ({
      %run_scoped3A = tpu.sem_alloc : memref<!tpu.dma_semaphore, #tpu.memory_space<semaphore_mem>>
      %dma_start3A = arith.constant 0 : i32
      %dma_start3A_57 = tpu.memref_slice %arg10[%add3A_18, %dma_start3A] : memref<10240x128xf32, #tpu.memory_space<vmem_shared>> -> memref<128x128xf32, #tpu.memory_space<vmem_shared>>
      %dma_start3A_58 = arith.constant 0 : i32
      %dma_start3A_59 = tpu.memref_slice %arg10[%add3A_18, %dma_start3A_58] : memref<10240x128xf32, #tpu.memory_space<vmem_shared>> -> memref<128x128xf32, #tpu.memory_space<vmem_shared>>
      tpu.enqueue_dma source(%arg9 : memref<128x128xf32, #tpu.memory_space<vmem>>) target(%dma_start3A_59 : memref<128x128xf32, #tpu.memory_space<vmem_shared>>) target_semaphore(%run_scoped3A : memref<!tpu.dma_semaphore, #tpu.memory_space<semaphore_mem>>)
      %dma_wait3A = arith.constant 0 : i32
      %dma_wait3A_60 = tpu.memref_slice %arg10[%add3A_18, %dma_wait3A] : memref<10240x128xf32, #tpu.memory_space<vmem_shared>> -> memref<128x128xf32, #tpu.memory_space<vmem_shared>>
      %dma_wait3A_61 = arith.constant 0 : i32
      %dma_wait3A_62 = tpu.memref_slice %arg10[%add3A_18, %dma_wait3A_61] : memref<10240x128xf32, #tpu.memory_space<vmem_shared>> -> memref<128x128xf32, #tpu.memory_space<vmem_shared>>
      tpu.wait_dma2 semaphore(%run_scoped3A : memref<!tpu.dma_semaphore, #tpu.memory_space<semaphore_mem>>) src(%arg9 : memref<128x128xf32, #tpu.memory_space<vmem>>) dst(%dma_wait3A_62 : memref<128x128xf32, #tpu.memory_space<vmem_shared>>)
      tpu.yield
    }) : () -> ()
    %mul3A_19 = arith.constant 640 : i32
    %mul3A_20 = arith.muli %arg1, %mul3A_19 : i32
    %add3A_21 = arith.constant 384 : i32
    %add3A_22 = arith.addi %mul3A_20, %add3A_21 : i32
    "tpu.region"() ({
      %run_scoped3A = tpu.sem_alloc : memref<!tpu.dma_semaphore, #tpu.memory_space<semaphore_mem>>
      %dma_start3A = arith.constant 0 : i32
      %dma_start3A_57 = tpu.memref_slice %arg10[%add3A_22, %dma_start3A] : memref<10240x128xf32, #tpu.memory_space<vmem_shared>> -> memref<128x128xf32, #tpu.memory_space<vmem_shared>>
      %dma_start3A_58 = arith.constant 0 : i32
      %dma_start3A_59 = tpu.memref_slice %arg10[%add3A_22, %dma_start3A_58] : memref<10240x128xf32, #tpu.memory_space<vmem_shared>> -> memref<128x128xf32, #tpu.memory_space<vmem_shared>>
      tpu.enqueue_dma source(%arg9 : memref<128x128xf32, #tpu.memory_space<vmem>>) target(%dma_start3A_59 : memref<128x128xf32, #tpu.memory_space<vmem_shared>>) target_semaphore(%run_scoped3A : memref<!tpu.dma_semaphore, #tpu.memory_space<semaphore_mem>>)
      %dma_wait3A = arith.constant 0 : i32
      %dma_wait3A_60 = tpu.memref_slice %arg10[%add3A_22, %dma_wait3A] : memref<10240x128xf32, #tpu.memory_space<vmem_shared>> -> memref<128x128xf32, #tpu.memory_space<vmem_shared>>
      %dma_wait3A_61 = arith.constant 0 : i32
      %dma_wait3A_62 = tpu.memref_slice %arg10[%add3A_22, %dma_wait3A_61] : memref<10240x128xf32, #tpu.memory_space<vmem_shared>> -> memref<128x128xf32, #tpu.memory_space<vmem_shared>>
      tpu.wait_dma2 semaphore(%run_scoped3A : memref<!tpu.dma_semaphore, #tpu.memory_space<semaphore_mem>>) src(%arg9 : memref<128x128xf32, #tpu.memory_space<vmem>>) dst(%dma_wait3A_62 : memref<128x128xf32, #tpu.memory_space<vmem_shared>>)
      tpu.yield
    }) : () -> ()
    %mul3A_23 = arith.constant 640 : i32
    %mul3A_24 = arith.muli %arg1, %mul3A_23 : i32
    %add3A_25 = arith.constant 512 : i32
    %add3A_26 = arith.addi %mul3A_24, %add3A_25 : i32
    "tpu.region"() ({
      %run_scoped3A = tpu.sem_alloc : memref<!tpu.dma_semaphore, #tpu.memory_space<semaphore_mem>>
      %dma_start3A = arith.constant 0 : i32
      %dma_start3A_57 = tpu.memref_slice %arg10[%add3A_26, %dma_start3A] : memref<10240x128xf32, #tpu.memory_space<vmem_shared>> -> memref<128x128xf32, #tpu.memory_space<vmem_shared>>
      %dma_start3A_58 = arith.constant 0 : i32
      %dma_start3A_59 = tpu.memref_slice %arg10[%add3A_26, %dma_start3A_58] : memref<10240x128xf32, #tpu.memory_space<vmem_shared>> -> memref<128x128xf32, #tpu.memory_space<vmem_shared>>
      tpu.enqueue_dma source(%arg9 : memref<128x128xf32, #tpu.memory_space<vmem>>) target(%dma_start3A_59 : memref<128x128xf32, #tpu.memory_space<vmem_shared>>) target_semaphore(%run_scoped3A : memref<!tpu.dma_semaphore, #tpu.memory_space<semaphore_mem>>)
      %dma_wait3A = arith.constant 0 : i32
      %dma_wait3A_60 = tpu.memref_slice %arg10[%add3A_26, %dma_wait3A] : memref<10240x128xf32, #tpu.memory_space<vmem_shared>> -> memref<128x128xf32, #tpu.memory_space<vmem_shared>>
      %dma_wait3A_61 = arith.constant 0 : i32
      %dma_wait3A_62 = tpu.memref_slice %arg10[%add3A_26, %dma_wait3A_61] : memref<10240x128xf32, #tpu.memory_space<vmem_shared>> -> memref<128x128xf32, #tpu.memory_space<vmem_shared>>
      tpu.wait_dma2 semaphore(%run_scoped3A : memref<!tpu.dma_semaphore, #tpu.memory_space<semaphore_mem>>) src(%arg9 : memref<128x128xf32, #tpu.memory_space<vmem>>) dst(%dma_wait3A_62 : memref<128x128xf32, #tpu.memory_space<vmem_shared>>)
      tpu.yield
    }) : () -> ()
    %barrier3A = arith.constant 0 : index
    tpu.barrier barrier_id(%barrier3A)
    %mul3A_27 = arith.constant 10000 : i32
    %mul3A_28 = arith.muli %add3A, %mul3A_27 : i32
    %scan3A_29 = arith.constant 0 : i32
    %scan3A_30 = arith.constant 0 : i32
    %scan3A_31 = arith.constant 125 : i32
    %scan3A_32 = arith.addi %scan3A_30, %scan3A_31 : i32
    %scan3A_33 = arith.constant 1 : i32
    %scan3A_34 = scf.for %scan3A_57 = %scan3A_30 to %scan3A_32 step %scan3A_33 iter_args(%scan3A_58 = %scan3A_29) -> (i32)  : i32 {
      %mul3A_59 = arith.constant 80 : i32
      %mul3A_60 = arith.muli %scan3A_57, %mul3A_59 : i32
      %add3A_61 = arith.addi %mul3A_28, %mul3A_60 : i32
      "tpu.region"() ({
        %run_scoped3A = tpu.sem_alloc : memref<!tpu.dma_semaphore, #tpu.memory_space<semaphore_mem>>
        %dma_start3A_67 = tpu.memref_slice %arg3[%add3A_61] : memref<320000xi32, #tpu.memory_space<hbm>> -> memref<80xi32, #tpu.memory_space<hbm>>
        %dma_start3A_68 = tpu.memref_slice %arg3[%add3A_61] : memref<320000xi32, #tpu.memory_space<hbm>> -> memref<80xi32, #tpu.memory_space<hbm>>
        tpu.enqueue_dma source(%dma_start3A_68 : memref<80xi32, #tpu.memory_space<hbm>>) target(%arg6 : memref<80xi32, #tpu.memory_space<vmem>>) target_semaphore(%run_scoped3A : memref<!tpu.dma_semaphore, #tpu.memory_space<semaphore_mem>>)
        %dma_wait3A_69 = tpu.memref_slice %arg3[%add3A_61] : memref<320000xi32, #tpu.memory_space<hbm>> -> memref<80xi32, #tpu.memory_space<hbm>>
        %dma_wait3A_70 = tpu.memref_slice %arg3[%add3A_61] : memref<320000xi32, #tpu.memory_space<hbm>> -> memref<80xi32, #tpu.memory_space<hbm>>
        tpu.wait_dma2 semaphore(%run_scoped3A : memref<!tpu.dma_semaphore, #tpu.memory_space<semaphore_mem>>) src(%dma_wait3A_70 : memref<80xi32, #tpu.memory_space<hbm>>) dst(%arg6 : memref<80xi32, #tpu.memory_space<vmem>>)
        tpu.yield
      }) : () -> ()
      "tpu.region"() ({
        %run_scoped3A = tpu.sem_alloc : memref<!tpu.dma_semaphore, #tpu.memory_space<semaphore_mem>>
        %dma_start3A_67 = tpu.memref_slice %arg4[%add3A_61] : memref<320000xi32, #tpu.memory_space<hbm>> -> memref<80xi32, #tpu.memory_space<hbm>>
        %dma_start3A_68 = tpu.memref_slice %arg4[%add3A_61] : memref<320000xi32, #tpu.memory_space<hbm>> -> memref<80xi32, #tpu.memory_space<hbm>>
        tpu.enqueue_dma source(%dma_start3A_68 : memref<80xi32, #tpu.memory_space<hbm>>) target(%arg7 : memref<80xi32, #tpu.memory_space<vmem>>) target_semaphore(%run_scoped3A : memref<!tpu.dma_semaphore, #tpu.memory_space<semaphore_mem>>)
        %dma_wait3A_69 = tpu.memref_slice %arg4[%add3A_61] : memref<320000xi32, #tpu.memory_space<hbm>> -> memref<80xi32, #tpu.memory_space<hbm>>
        %dma_wait3A_70 = tpu.memref_slice %arg4[%add3A_61] : memref<320000xi32, #tpu.memory_space<hbm>> -> memref<80xi32, #tpu.memory_space<hbm>>
        tpu.wait_dma2 semaphore(%run_scoped3A : memref<!tpu.dma_semaphore, #tpu.memory_space<semaphore_mem>>) src(%dma_wait3A_70 : memref<80xi32, #tpu.memory_space<hbm>>) dst(%arg7 : memref<80xi32, #tpu.memory_space<vmem>>)
        tpu.yield
      }) : () -> ()
      %dma_start3A = arith.constant 0 : i32
      %dma_start3A_62 = arith.constant 0 : i32
      %dma_start3A_63 = tpu.memref_slice %arg2[%dma_start3A, %dma_start3A_62] : memref<10000x128xf32, #tpu.memory_space<hbm>> -> memref<10000x128xf32, #tpu.memory_space<hbm>>
      tpu.enqueue_indirect_dma source(%dma_start3A_63 : memref<10000x128xf32, #tpu.memory_space<hbm>>) target(%arg8 : memref<80x128xf32, #tpu.memory_space<vmem>>) offsets(%arg6 : memref<80xi32, #tpu.memory_space<vmem>>) semaphore(%arg11 : memref<!tpu.dma_semaphore, #tpu.memory_space<semaphore_mem>>)
      %dma_wait3A = arith.constant 0 : i32
      %dma_wait3A_64 = arith.constant 0 : i32
      %dma_wait3A_65 = tpu.memref_slice %arg2[%dma_wait3A, %dma_wait3A_64] : memref<10000x128xf32, #tpu.memory_space<hbm>> -> memref<10000x128xf32, #tpu.memory_space<hbm>>
      tpu.wait_indirect_dma semaphore(%arg11 : memref<!tpu.dma_semaphore, #tpu.memory_space<semaphore_mem>>) src(%dma_wait3A_65 : memref<10000x128xf32, #tpu.memory_space<hbm>>) dst(%arg8 : memref<80x128xf32, #tpu.memory_space<vmem>>)
      "tpu.region"() ({
        %run_scoped3A = tpu.sem_alloc : memref<!tpu.dma_semaphore, #tpu.memory_space<semaphore_mem>>
        %dma_start3A_67 = arith.constant 0 : i32
        %dma_start3A_68 = arith.constant 0 : i32
        %dma_start3A_69 = tpu.memref_slice %arg10[%dma_start3A_67, %dma_start3A_68] : memref<10240x128xf32, #tpu.memory_space<vmem_shared>> -> memref<10240x128xf32, #tpu.memory_space<vmem_shared>>
        tpu.enqueue_indirect_dma source(%arg8 : memref<80x128xf32, #tpu.memory_space<vmem>>) target(%dma_start3A_69 : memref<10240x128xf32, #tpu.memory_space<vmem_shared>>) offsets(%arg7 : memref<80xi32, #tpu.memory_space<vmem>>) semaphore(%run_scoped3A : memref<!tpu.dma_semaphore, #tpu.memory_space<semaphore_mem>>) {add = true}
        %dma_wait3A_70 = arith.constant 0 : i32
        %dma_wait3A_71 = arith.constant 0 : i32
        %dma_wait3A_72 = tpu.memref_slice %arg10[%dma_wait3A_70, %dma_wait3A_71] : memref<10240x128xf32, #tpu.memory_space<vmem_shared>> -> memref<10240x128xf32, #tpu.memory_space<vmem_shared>>
        tpu.wait_indirect_dma semaphore(%run_scoped3A : memref<!tpu.dma_semaphore, #tpu.memory_space<semaphore_mem>>) src(%arg8 : memref<80x128xf32, #tpu.memory_space<vmem>>) dst(%dma_wait3A_72 : memref<10240x128xf32, #tpu.memory_space<vmem_shared>>)
        tpu.yield
      }) : () -> ()
      %scan3A_66 = arith.constant 0 : i32
      scf.yield %scan3A_66 : i32
    }
    %scan3A_35 = arith.constant 125 : i32
    %barrier3A_36 = arith.constant 0 : index
    tpu.barrier barrier_id(%barrier3A_36)
    %mul3A_37 = arith.constant 640 : i32
    %mul3A_38 = arith.muli %arg1, %mul3A_37 : i32
    %add3A_39 = arith.constant 0 : i32
    %add3A_40 = arith.addi %mul3A_38, %add3A_39 : i32
    "tpu.region"() ({
      %run_scoped3A = tpu.sem_alloc : memref<!tpu.dma_semaphore, #tpu.memory_space<semaphore_mem>>
      %dma_start3A = arith.constant 0 : i32
      %dma_start3A_57 = tpu.memref_slice %arg5[%arg0, %add3A_40, %dma_start3A] : memref<2x10240x128xf32, #tpu.memory_space<hbm>> -> memref<1x128x128xf32, #tpu.memory_space<hbm>>
      %dma_start3A_58 = tpu.memref_squeeze %dma_start3A_57 : memref<1x128x128xf32, #tpu.memory_space<hbm>> -> memref<128x128xf32, #tpu.memory_space<hbm>>
      %dma_start3A_59 = arith.constant 0 : i32
      %dma_start3A_60 = tpu.memref_slice %arg10[%add3A_40, %dma_start3A_59] : memref<10240x128xf32, #tpu.memory_space<vmem_shared>> -> memref<128x128xf32, #tpu.memory_space<vmem_shared>>
      tpu.enqueue_dma source(%dma_start3A_60 : memref<128x128xf32, #tpu.memory_space<vmem_shared>>) target(%dma_start3A_58 : memref<128x128xf32, #tpu.memory_space<hbm>>) target_semaphore(%run_scoped3A : memref<!tpu.dma_semaphore, #tpu.memory_space<semaphore_mem>>)
      %dma_wait3A = arith.constant 0 : i32
      %dma_wait3A_61 = tpu.memref_slice %arg5[%arg0, %add3A_40, %dma_wait3A] : memref<2x10240x128xf32, #tpu.memory_space<hbm>> -> memref<1x128x128xf32, #tpu.memory_space<hbm>>
      %dma_wait3A_62 = tpu.memref_squeeze %dma_wait3A_61 : memref<1x128x128xf32, #tpu.memory_space<hbm>> -> memref<128x128xf32, #tpu.memory_space<hbm>>
      %dma_wait3A_63 = arith.constant 0 : i32
      %dma_wait3A_64 = tpu.memref_slice %arg10[%add3A_40, %dma_wait3A_63] : memref<10240x128xf32, #tpu.memory_space<vmem_shared>> -> memref<128x128xf32, #tpu.memory_space<vmem_shared>>
      tpu.wait_dma2 semaphore(%run_scoped3A : memref<!tpu.dma_semaphore, #tpu.memory_space<semaphore_mem>>) src(%dma_wait3A_64 : memref<128x128xf32, #tpu.memory_space<vmem_shared>>) dst(%dma_wait3A_62 : memref<128x128xf32, #tpu.memory_space<hbm>>)
      tpu.yield
    }) : () -> ()
    %mul3A_41 = arith.constant 640 : i32
    %mul3A_42 = arith.muli %arg1, %mul3A_41 : i32
    %add3A_43 = arith.constant 128 : i32
    %add3A_44 = arith.addi %mul3A_42, %add3A_43 : i32
    "tpu.region"() ({
      %run_scoped3A = tpu.sem_alloc : memref<!tpu.dma_semaphore, #tpu.memory_space<semaphore_mem>>
      %dma_start3A = arith.constant 0 : i32
      %dma_start3A_57 = tpu.memref_slice %arg5[%arg0, %add3A_44, %dma_start3A] : memref<2x10240x128xf32, #tpu.memory_space<hbm>> -> memref<1x128x128xf32, #tpu.memory_space<hbm>>
      %dma_start3A_58 = tpu.memref_squeeze %dma_start3A_57 : memref<1x128x128xf32, #tpu.memory_space<hbm>> -> memref<128x128xf32, #tpu.memory_space<hbm>>
      %dma_start3A_59 = arith.constant 0 : i32
      %dma_start3A_60 = tpu.memref_slice %arg10[%add3A_44, %dma_start3A_59] : memref<10240x128xf32, #tpu.memory_space<vmem_shared>> -> memref<128x128xf32, #tpu.memory_space<vmem_shared>>
      tpu.enqueue_dma source(%dma_start3A_60 : memref<128x128xf32, #tpu.memory_space<vmem_shared>>) target(%dma_start3A_58 : memref<128x128xf32, #tpu.memory_space<hbm>>) target_semaphore(%run_scoped3A : memref<!tpu.dma_semaphore, #tpu.memory_space<semaphore_mem>>)
      %dma_wait3A = arith.constant 0 : i32
      %dma_wait3A_61 = tpu.memref_slice %arg5[%arg0, %add3A_44, %dma_wait3A] : memref<2x10240x128xf32, #tpu.memory_space<hbm>> -> memref<1x128x128xf32, #tpu.memory_space<hbm>>
      %dma_wait3A_62 = tpu.memref_squeeze %dma_wait3A_61 : memref<1x128x128xf32, #tpu.memory_space<hbm>> -> memref<128x128xf32, #tpu.memory_space<hbm>>
      %dma_wait3A_63 = arith.constant 0 : i32
      %dma_wait3A_64 = tpu.memref_slice %arg10[%add3A_44, %dma_wait3A_63] : memref<10240x128xf32, #tpu.memory_space<vmem_shared>> -> memref<128x128xf32, #tpu.memory_space<vmem_shared>>
      tpu.wait_dma2 semaphore(%run_scoped3A : memref<!tpu.dma_semaphore, #tpu.memory_space<semaphore_mem>>) src(%dma_wait3A_64 : memref<128x128xf32, #tpu.memory_space<vmem_shared>>) dst(%dma_wait3A_62 : memref<128x128xf32, #tpu.memory_space<hbm>>)
      tpu.yield
    }) : () -> ()
    %mul3A_45 = arith.constant 640 : i32
    %mul3A_46 = arith.muli %arg1, %mul3A_45 : i32
    %add3A_47 = arith.constant 256 : i32
    %add3A_48 = arith.addi %mul3A_46, %add3A_47 : i32
    "tpu.region"() ({
      %run_scoped3A = tpu.sem_alloc : memref<!tpu.dma_semaphore, #tpu.memory_space<semaphore_mem>>
      %dma_start3A = arith.constant 0 : i32
      %dma_start3A_57 = tpu.memref_slice %arg5[%arg0, %add3A_48, %dma_start3A] : memref<2x10240x128xf32, #tpu.memory_space<hbm>> -> memref<1x128x128xf32, #tpu.memory_space<hbm>>
      %dma_start3A_58 = tpu.memref_squeeze %dma_start3A_57 : memref<1x128x128xf32, #tpu.memory_space<hbm>> -> memref<128x128xf32, #tpu.memory_space<hbm>>
      %dma_start3A_59 = arith.constant 0 : i32
      %dma_start3A_60 = tpu.memref_slice %arg10[%add3A_48, %dma_start3A_59] : memref<10240x128xf32, #tpu.memory_space<vmem_shared>> -> memref<128x128xf32, #tpu.memory_space<vmem_shared>>
      tpu.enqueue_dma source(%dma_start3A_60 : memref<128x128xf32, #tpu.memory_space<vmem_shared>>) target(%dma_start3A_58 : memref<128x128xf32, #tpu.memory_space<hbm>>) target_semaphore(%run_scoped3A : memref<!tpu.dma_semaphore, #tpu.memory_space<semaphore_mem>>)
      %dma_wait3A = arith.constant 0 : i32
      %dma_wait3A_61 = tpu.memref_slice %arg5[%arg0, %add3A_48, %dma_wait3A] : memref<2x10240x128xf32, #tpu.memory_space<hbm>> -> memref<1x128x128xf32, #tpu.memory_space<hbm>>
      %dma_wait3A_62 = tpu.memref_squeeze %dma_wait3A_61 : memref<1x128x128xf32, #tpu.memory_space<hbm>> -> memref<128x128xf32, #tpu.memory_space<hbm>>
      %dma_wait3A_63 = arith.constant 0 : i32
      %dma_wait3A_64 = tpu.memref_slice %arg10[%add3A_48, %dma_wait3A_63] : memref<10240x128xf32, #tpu.memory_space<vmem_shared>> -> memref<128x128xf32, #tpu.memory_space<vmem_shared>>
      tpu.wait_dma2 semaphore(%run_scoped3A : memref<!tpu.dma_semaphore, #tpu.memory_space<semaphore_mem>>) src(%dma_wait3A_64 : memref<128x128xf32, #tpu.memory_space<vmem_shared>>) dst(%dma_wait3A_62 : memref<128x128xf32, #tpu.memory_space<hbm>>)
      tpu.yield
    }) : () -> ()
    %mul3A_49 = arith.constant 640 : i32
    %mul3A_50 = arith.muli %arg1, %mul3A_49 : i32
    %add3A_51 = arith.constant 384 : i32
    %add3A_52 = arith.addi %mul3A_50, %add3A_51 : i32
    "tpu.region"() ({
      %run_scoped3A = tpu.sem_alloc : memref<!tpu.dma_semaphore, #tpu.memory_space<semaphore_mem>>
      %dma_start3A = arith.constant 0 : i32
      %dma_start3A_57 = tpu.memref_slice %arg5[%arg0, %add3A_52, %dma_start3A] : memref<2x10240x128xf32, #tpu.memory_space<hbm>> -> memref<1x128x128xf32, #tpu.memory_space<hbm>>
      %dma_start3A_58 = tpu.memref_squeeze %dma_start3A_57 : memref<1x128x128xf32, #tpu.memory_space<hbm>> -> memref<128x128xf32, #tpu.memory_space<hbm>>
      %dma_start3A_59 = arith.constant 0 : i32
      %dma_start3A_60 = tpu.memref_slice %arg10[%add3A_52, %dma_start3A_59] : memref<10240x128xf32, #tpu.memory_space<vmem_shared>> -> memref<128x128xf32, #tpu.memory_space<vmem_shared>>
      tpu.enqueue_dma source(%dma_start3A_60 : memref<128x128xf32, #tpu.memory_space<vmem_shared>>) target(%dma_start3A_58 : memref<128x128xf32, #tpu.memory_space<hbm>>) target_semaphore(%run_scoped3A : memref<!tpu.dma_semaphore, #tpu.memory_space<semaphore_mem>>)
      %dma_wait3A = arith.constant 0 : i32
      %dma_wait3A_61 = tpu.memref_slice %arg5[%arg0, %add3A_52, %dma_wait3A] : memref<2x10240x128xf32, #tpu.memory_space<hbm>> -> memref<1x128x128xf32, #tpu.memory_space<hbm>>
      %dma_wait3A_62 = tpu.memref_squeeze %dma_wait3A_61 : memref<1x128x128xf32, #tpu.memory_space<hbm>> -> memref<128x128xf32, #tpu.memory_space<hbm>>
      %dma_wait3A_63 = arith.constant 0 : i32
      %dma_wait3A_64 = tpu.memref_slice %arg10[%add3A_52, %dma_wait3A_63] : memref<10240x128xf32, #tpu.memory_space<vmem_shared>> -> memref<128x128xf32, #tpu.memory_space<vmem_shared>>
      tpu.wait_dma2 semaphore(%run_scoped3A : memref<!tpu.dma_semaphore, #tpu.memory_space<semaphore_mem>>) src(%dma_wait3A_64 : memref<128x128xf32, #tpu.memory_space<vmem_shared>>) dst(%dma_wait3A_62 : memref<128x128xf32, #tpu.memory_space<hbm>>)
      tpu.yield
    }) : () -> ()
    %mul3A_53 = arith.constant 640 : i32
    %mul3A_54 = arith.muli %arg1, %mul3A_53 : i32
    %add3A_55 = arith.constant 512 : i32
    %add3A_56 = arith.addi %mul3A_54, %add3A_55 : i32
    "tpu.region"() ({
      %run_scoped3A = tpu.sem_alloc : memref<!tpu.dma_semaphore, #tpu.memory_space<semaphore_mem>>
      %dma_start3A = arith.constant 0 : i32
      %dma_start3A_57 = tpu.memref_slice %arg5[%arg0, %add3A_56, %dma_start3A] : memref<2x10240x128xf32, #tpu.memory_space<hbm>> -> memref<1x128x128xf32, #tpu.memory_space<hbm>>
      %dma_start3A_58 = tpu.memref_squeeze %dma_start3A_57 : memref<1x128x128xf32, #tpu.memory_space<hbm>> -> memref<128x128xf32, #tpu.memory_space<hbm>>
      %dma_start3A_59 = arith.constant 0 : i32
      %dma_start3A_60 = tpu.memref_slice %arg10[%add3A_56, %dma_start3A_59] : memref<10240x128xf32, #tpu.memory_space<vmem_shared>> -> memref<128x128xf32, #tpu.memory_space<vmem_shared>>
      tpu.enqueue_dma source(%dma_start3A_60 : memref<128x128xf32, #tpu.memory_space<vmem_shared>>) target(%dma_start3A_58 : memref<128x128xf32, #tpu.memory_space<hbm>>) target_semaphore(%run_scoped3A : memref<!tpu.dma_semaphore, #tpu.memory_space<semaphore_mem>>)
      %dma_wait3A = arith.constant 0 : i32
      %dma_wait3A_61 = tpu.memref_slice %arg5[%arg0, %add3A_56, %dma_wait3A] : memref<2x10240x128xf32, #tpu.memory_space<hbm>> -> memref<1x128x128xf32, #tpu.memory_space<hbm>>
      %dma_wait3A_62 = tpu.memref_squeeze %dma_wait3A_61 : memref<1x128x128xf32, #tpu.memory_space<hbm>> -> memref<128x128xf32, #tpu.memory_space<hbm>>
      %dma_wait3A_63 = arith.constant 0 : i32
      %dma_wait3A_64 = tpu.memref_slice %arg10[%add3A_56, %dma_wait3A_63] : memref<10240x128xf32, #tpu.memory_space<vmem_shared>> -> memref<128x128xf32, #tpu.memory_space<vmem_shared>>
      tpu.wait_dma2 semaphore(%run_scoped3A : memref<!tpu.dma_semaphore, #tpu.memory_space<semaphore_mem>>) src(%dma_wait3A_64 : memref<128x128xf32, #tpu.memory_space<vmem_shared>>) dst(%dma_wait3A_62 : memref<128x128xf32, #tpu.memory_space<hbm>>)
      tpu.yield
    }) : () -> ()
    return
  }
}

#map = affine_map<(d0, d1) -> (0, 0)>
#map1 = affine_map<(d0, d1) -> (0)>
#map2 = affine_map<(d0, d1) -> (0, 0, 0)>
module attributes {stable_mosaic.version = 14 : i64} {
  func.func @_sc_scatter(%arg0: i32, %arg1: i32, %arg2: memref<10000x128xf32, #tpu.memory_space<hbm>>, %arg3: memref<320000xi32, #tpu.memory_space<hbm>>, %arg4: memref<320000xi32, #tpu.memory_space<hbm>>, %arg5: memref<2x10240x128xf32, #tpu.memory_space<hbm>>, %arg6: memref<80xi32, #tpu.memory_space<vmem>>, %arg7: memref<80xi32, #tpu.memory_space<vmem>>, %arg8: memref<80x128xf32, #tpu.memory_space<vmem>>, %arg9: memref<128x128xf32, #tpu.memory_space<vmem>>, %arg10: memref<10240x128xf32, #tpu.memory_space<vmem_shared>>, %arg11: memref<!tpu.dma_semaphore, #tpu.memory_space<semaphore_mem>>) attributes {dimension_semantics = [#tpu.dimension_semantics<core_parallel>, #tpu.dimension_semantics<subcore_parallel>], iteration_bounds = array<i64: 2, 16>, scalar_prefetch = 0 : i64, scratch_operands = 6 : i64, tpu.core_type = #tpu.core_type<sc_vector_subcore>, window_params = [{transform_indices = #map}, {transform_indices = #map1}, {transform_indices = #map1}, {transform_indices = #map2}]} {
    %mul3A = arith.constant 2 : i32
    %mul3A_0 = arith.muli %arg1, %mul3A : i32
    %add3A = arith.addi %mul3A_0, %arg0 : i32
    %scan3A = arith.constant 0 : i32
    %scan3A_1 = arith.constant 0 : i32
    %scan3A_2 = arith.constant 128 : i32
    %scan3A_3 = arith.addi %scan3A_1, %scan3A_2 : i32
    %scan3A_4 = arith.constant 1 : i32
    %scan3A_5 = scf.for %scan3A_57 = %scan3A_1 to %scan3A_3 step %scan3A_4 iter_args(%scan3A_58 = %scan3A) -> (i32)  : i32 {
      %broadcast_in_dim3A = arith.constant 0.000000e+00 : f32
      %broadcast_in_dim3A_59 = vector.broadcast %broadcast_in_dim3A : f32 to vector<16xf32>
      %swap3A = arith.index_cast %scan3A_57 : i32 to index
      %swap3A_60 = arith.constant 0 : index
      %swap3A_61 = tpu.vector_load %arg9[%swap3A, %swap3A_60] {strides = array<i32>} : memref<128x128xf32, #tpu.memory_space<vmem>>, vector<1x16xf32>,
      %swap3A_62 = vector.shape_cast %swap3A_61 : vector<1x16xf32> to vector<16xf32>
      %swap3A_63 = vector.shape_cast %broadcast_in_dim3A_59 : vector<16xf32> to vector<1x16xf32>
      tpu.vector_store %arg9[%swap3A, %swap3A_60], %swap3A_63 {strides = array<i32>} : memref<128x128xf32, #tpu.memory_space<vmem>>, vector<1x16xf32>,
      %broadcast_in_dim3A_64 = arith.constant 0.000000e+00 : f32
      %broadcast_in_dim3A_65 = vector.broadcast %broadcast_in_dim3A_64 : f32 to vector<16xf32>
      %swap3A_66 = arith.index_cast %scan3A_57 : i32 to index
      %swap3A_67 = arith.constant 16 : index
      %swap3A_68 = tpu.vector_load %arg9[%swap3A_66, %swap3A_67] {strides = array<i32>} : memref<128x128xf32, #tpu.memory_space<vmem>>, vector<1x16xf32>,
      %swap3A_69 = vector.shape_cast %swap3A_68 : vector<1x16xf32> to vector<16xf32>
      %swap3A_70 = vector.shape_cast %broadcast_in_dim3A_65 : vector<16xf32> to vector<1x16xf32>
      tpu.vector_store %arg9[%swap3A_66, %swap3A_67], %swap3A_70 {strides = array<i32>} : memref<128x128xf32, #tpu.memory_space<vmem>>, vector<1x16xf32>,
      %broadcast_in_dim3A_71 = arith.constant 0.000000e+00 : f32
      %broadcast_in_dim3A_72 = vector.broadcast %broadcast_in_dim3A_71 : f32 to vector<16xf32>
      %swap3A_73 = arith.index_cast %scan3A_57 : i32 to index
      %swap3A_74 = arith.constant 32 : index
      %swap3A_75 = tpu.vector_load %arg9[%swap3A_73, %swap3A_74] {strides = array<i32>} : memref<128x128xf32, #tpu.memory_space<vmem>>, vector<1x16xf32>,
      %swap3A_76 = vector.shape_cast %swap3A_75 : vector<1x16xf32> to vector<16xf32>
      %swap3A_77 = vector.shape_cast %broadcast_in_dim3A_72 : vector<16xf32> to vector<1x16xf32>
      tpu.vector_store %arg9[%swap3A_73, %swap3A_74], %swap3A_77 {strides = array<i32>} : memref<128x128xf32, #tpu.memory_space<vmem>>, vector<1x16xf32>,
      %broadcast_in_dim3A_78 = arith.constant 0.000000e+00 : f32
      %broadcast_in_dim3A_79 = vector.broadcast %broadcast_in_dim3A_78 : f32 to vector<16xf32>
      %swap3A_80 = arith.index_cast %scan3A_57 : i32 to index
      %swap3A_81 = arith.constant 48 : index
      %swap3A_82 = tpu.vector_load %arg9[%swap3A_80, %swap3A_81] {strides = array<i32>} : memref<128x128xf32, #tpu.memory_space<vmem>>, vector<1x16xf32>,
      %swap3A_83 = vector.shape_cast %swap3A_82 : vector<1x16xf32> to vector<16xf32>
      %swap3A_84 = vector.shape_cast %broadcast_in_dim3A_79 : vector<16xf32> to vector<1x16xf32>
      tpu.vector_store %arg9[%swap3A_80, %swap3A_81], %swap3A_84 {strides = array<i32>} : memref<128x128xf32, #tpu.memory_space<vmem>>, vector<1x16xf32>,
      %broadcast_in_dim3A_85 = arith.constant 0.000000e+00 : f32
      %broadcast_in_dim3A_86 = vector.broadcast %broadcast_in_dim3A_85 : f32 to vector<16xf32>
      %swap3A_87 = arith.index_cast %scan3A_57 : i32 to index
      %swap3A_88 = arith.constant 64 : index
      %swap3A_89 = tpu.vector_load %arg9[%swap3A_87, %swap3A_88] {strides = array<i32>} : memref<128x128xf32, #tpu.memory_space<vmem>>, vector<1x16xf32>,
      %swap3A_90 = vector.shape_cast %swap3A_89 : vector<1x16xf32> to vector<16xf32>
      %swap3A_91 = vector.shape_cast %broadcast_in_dim3A_86 : vector<16xf32> to vector<1x16xf32>
      tpu.vector_store %arg9[%swap3A_87, %swap3A_88], %swap3A_91 {strides = array<i32>} : memref<128x128xf32, #tpu.memory_space<vmem>>, vector<1x16xf32>,
      %broadcast_in_dim3A_92 = arith.constant 0.000000e+00 : f32
      %broadcast_in_dim3A_93 = vector.broadcast %broadcast_in_dim3A_92 : f32 to vector<16xf32>
      %swap3A_94 = arith.index_cast %scan3A_57 : i32 to index
      %swap3A_95 = arith.constant 80 : index
      %swap3A_96 = tpu.vector_load %arg9[%swap3A_94, %swap3A_95] {strides = array<i32>} : memref<128x128xf32, #tpu.memory_space<vmem>>, vector<1x16xf32>,
      %swap3A_97 = vector.shape_cast %swap3A_96 : vector<1x16xf32> to vector<16xf32>
      %swap3A_98 = vector.shape_cast %broadcast_in_dim3A_93 : vector<16xf32> to vector<1x16xf32>
      tpu.vector_store %arg9[%swap3A_94, %swap3A_95], %swap3A_98 {strides = array<i32>} : memref<128x128xf32, #tpu.memory_space<vmem>>, vector<1x16xf32>,
      %broadcast_in_dim3A_99 = arith.constant 0.000000e+00 : f32
      %broadcast_in_dim3A_100 = vector.broadcast %broadcast_in_dim3A_99 : f32 to vector<16xf32>
      %swap3A_101 = arith.index_cast %scan3A_57 : i32 to index
      %swap3A_102 = arith.constant 96 : index
      %swap3A_103 = tpu.vector_load %arg9[%swap3A_101, %swap3A_102] {strides = array<i32>} : memref<128x128xf32, #tpu.memory_space<vmem>>, vector<1x16xf32>,
      %swap3A_104 = vector.shape_cast %swap3A_103 : vector<1x16xf32> to vector<16xf32>
      %swap3A_105 = vector.shape_cast %broadcast_in_dim3A_100 : vector<16xf32> to vector<1x16xf32>
      tpu.vector_store %arg9[%swap3A_101, %swap3A_102], %swap3A_105 {strides = array<i32>} : memref<128x128xf32, #tpu.memory_space<vmem>>, vector<1x16xf32>,
      %broadcast_in_dim3A_106 = arith.constant 0.000000e+00 : f32
      %broadcast_in_dim3A_107 = vector.broadcast %broadcast_in_dim3A_106 : f32 to vector<16xf32>
      %swap3A_108 = arith.index_cast %scan3A_57 : i32 to index
      %swap3A_109 = arith.constant 112 : index
      %swap3A_110 = tpu.vector_load %arg9[%swap3A_108, %swap3A_109] {strides = array<i32>} : memref<128x128xf32, #tpu.memory_space<vmem>>, vector<1x16xf32>,
      %swap3A_111 = vector.shape_cast %swap3A_110 : vector<1x16xf32> to vector<16xf32>
      %swap3A_112 = vector.shape_cast %broadcast_in_dim3A_107 : vector<16xf32> to vector<1x16xf32>
      tpu.vector_store %arg9[%swap3A_108, %swap3A_109], %swap3A_112 {strides = array<i32>} : memref<128x128xf32, #tpu.memory_space<vmem>>, vector<1x16xf32>,
      %scan3A_113 = arith.constant 0 : i32
      scf.yield %scan3A_113 : i32
    }
    %scan3A_6 = arith.constant 128 : i32
    %mul3A_7 = arith.constant 640 : i32
    %mul3A_8 = arith.muli %arg1, %mul3A_7 : i32
    %add3A_9 = arith.constant 0 : i32
    %add3A_10 = arith.addi %mul3A_8, %add3A_9 : i32
    "tpu.region"() ({
      %run_scoped3A = tpu.sem_alloc : memref<!tpu.dma_semaphore, #tpu.memory_space<semaphore_mem>>
      %dma_start3A = arith.constant 0 : i32
      %dma_start3A_57 = tpu.memref_slice %arg10[%add3A_10, %dma_start3A] : memref<10240x128xf32, #tpu.memory_space<vmem_shared>> -> memref<128x128xf32, #tpu.memory_space<vmem_shared>>
      %dma_start3A_58 = arith.constant 0 : i32
      %dma_start3A_59 = tpu.memref_slice %arg10[%add3A_10, %dma_start3A_58] : memref<10240x128xf32, #tpu.memory_space<vmem_shared>> -> memref<128x128xf32, #tpu.memory_space<vmem_shared>>
      tpu.enqueue_dma source(%arg9 : memref<128x128xf32, #tpu.memory_space<vmem>>) target(%dma_start3A_59 : memref<128x128xf32, #tpu.memory_space<vmem_shared>>) target_semaphore(%run_scoped3A : memref<!tpu.dma_semaphore, #tpu.memory_space<semaphore_mem>>)
      %dma_wait3A = arith.constant 0 : i32
      %dma_wait3A_60 = tpu.memref_slice %arg10[%add3A_10, %dma_wait3A] : memref<10240x128xf32, #tpu.memory_space<vmem_shared>> -> memref<128x128xf32, #tpu.memory_space<vmem_shared>>
      %dma_wait3A_61 = arith.constant 0 : i32
      %dma_wait3A_62 = tpu.memref_slice %arg10[%add3A_10, %dma_wait3A_61] : memref<10240x128xf32, #tpu.memory_space<vmem_shared>> -> memref<128x128xf32, #tpu.memory_space<vmem_shared>>
      tpu.wait_dma2 semaphore(%run_scoped3A : memref<!tpu.dma_semaphore, #tpu.memory_space<semaphore_mem>>) src(%arg9 : memref<128x128xf32, #tpu.memory_space<vmem>>) dst(%dma_wait3A_62 : memref<128x128xf32, #tpu.memory_space<vmem_shared>>)
      tpu.yield
    }) : () -> ()
    %mul3A_11 = arith.constant 640 : i32
    %mul3A_12 = arith.muli %arg1, %mul3A_11 : i32
    %add3A_13 = arith.constant 128 : i32
    %add3A_14 = arith.addi %mul3A_12, %add3A_13 : i32
    "tpu.region"() ({
      %run_scoped3A = tpu.sem_alloc : memref<!tpu.dma_semaphore, #tpu.memory_space<semaphore_mem>>
      %dma_start3A = arith.constant 0 : i32
      %dma_start3A_57 = tpu.memref_slice %arg10[%add3A_14, %dma_start3A] : memref<10240x128xf32, #tpu.memory_space<vmem_shared>> -> memref<128x128xf32, #tpu.memory_space<vmem_shared>>
      %dma_start3A_58 = arith.constant 0 : i32
      %dma_start3A_59 = tpu.memref_slice %arg10[%add3A_14, %dma_start3A_58] : memref<10240x128xf32, #tpu.memory_space<vmem_shared>> -> memref<128x128xf32, #tpu.memory_space<vmem_shared>>
      tpu.enqueue_dma source(%arg9 : memref<128x128xf32, #tpu.memory_space<vmem>>) target(%dma_start3A_59 : memref<128x128xf32, #tpu.memory_space<vmem_shared>>) target_semaphore(%run_scoped3A : memref<!tpu.dma_semaphore, #tpu.memory_space<semaphore_mem>>)
      %dma_wait3A = arith.constant 0 : i32
      %dma_wait3A_60 = tpu.memref_slice %arg10[%add3A_14, %dma_wait3A] : memref<10240x128xf32, #tpu.memory_space<vmem_shared>> -> memref<128x128xf32, #tpu.memory_space<vmem_shared>>
      %dma_wait3A_61 = arith.constant 0 : i32
      %dma_wait3A_62 = tpu.memref_slice %arg10[%add3A_14, %dma_wait3A_61] : memref<10240x128xf32, #tpu.memory_space<vmem_shared>> -> memref<128x128xf32, #tpu.memory_space<vmem_shared>>
      tpu.wait_dma2 semaphore(%run_scoped3A : memref<!tpu.dma_semaphore, #tpu.memory_space<semaphore_mem>>) src(%arg9 : memref<128x128xf32, #tpu.memory_space<vmem>>) dst(%dma_wait3A_62 : memref<128x128xf32, #tpu.memory_space<vmem_shared>>)
      tpu.yield
    }) : () -> ()
    %mul3A_15 = arith.constant 640 : i32
    %mul3A_16 = arith.muli %arg1, %mul3A_15 : i32
    %add3A_17 = arith.constant 256 : i32
    %add3A_18 = arith.addi %mul3A_16, %add3A_17 : i32
    "tpu.region"() ({
      %run_scoped3A = tpu.sem_alloc : memref<!tpu.dma_semaphore, #tpu.memory_space<semaphore_mem>>
      %dma_start3A = arith.constant 0 : i32
      %dma_start3A_57 = tpu.memref_slice %arg10[%add3A_18, %dma_start3A] : memref<10240x128xf32, #tpu.memory_space<vmem_shared>> -> memref<128x128xf32, #tpu.memory_space<vmem_shared>>
      %dma_start3A_58 = arith.constant 0 : i32
      %dma_start3A_59 = tpu.memref_slice %arg10[%add3A_18, %dma_start3A_58] : memref<10240x128xf32, #tpu.memory_space<vmem_shared>> -> memref<128x128xf32, #tpu.memory_space<vmem_shared>>
      tpu.enqueue_dma source(%arg9 : memref<128x128xf32, #tpu.memory_space<vmem>>) target(%dma_start3A_59 : memref<128x128xf32, #tpu.memory_space<vmem_shared>>) target_semaphore(%run_scoped3A : memref<!tpu.dma_semaphore, #tpu.memory_space<semaphore_mem>>)
      %dma_wait3A = arith.constant 0 : i32
      %dma_wait3A_60 = tpu.memref_slice %arg10[%add3A_18, %dma_wait3A] : memref<10240x128xf32, #tpu.memory_space<vmem_shared>> -> memref<128x128xf32, #tpu.memory_space<vmem_shared>>
      %dma_wait3A_61 = arith.constant 0 : i32
      %dma_wait3A_62 = tpu.memref_slice %arg10[%add3A_18, %dma_wait3A_61] : memref<10240x128xf32, #tpu.memory_space<vmem_shared>> -> memref<128x128xf32, #tpu.memory_space<vmem_shared>>
      tpu.wait_dma2 semaphore(%run_scoped3A : memref<!tpu.dma_semaphore, #tpu.memory_space<semaphore_mem>>) src(%arg9 : memref<128x128xf32, #tpu.memory_space<vmem>>) dst(%dma_wait3A_62 : memref<128x128xf32, #tpu.memory_space<vmem_shared>>)
      tpu.yield
    }) : () -> ()
    %mul3A_19 = arith.constant 640 : i32
    %mul3A_20 = arith.muli %arg1, %mul3A_19 : i32
    %add3A_21 = arith.constant 384 : i32
    %add3A_22 = arith.addi %mul3A_20, %add3A_21 : i32
    "tpu.region"() ({
      %run_scoped3A = tpu.sem_alloc : memref<!tpu.dma_semaphore, #tpu.memory_space<semaphore_mem>>
      %dma_start3A = arith.constant 0 : i32
      %dma_start3A_57 = tpu.memref_slice %arg10[%add3A_22, %dma_start3A] : memref<10240x128xf32, #tpu.memory_space<vmem_shared>> -> memref<128x128xf32, #tpu.memory_space<vmem_shared>>
      %dma_start3A_58 = arith.constant 0 : i32
      %dma_start3A_59 = tpu.memref_slice %arg10[%add3A_22, %dma_start3A_58] : memref<10240x128xf32, #tpu.memory_space<vmem_shared>> -> memref<128x128xf32, #tpu.memory_space<vmem_shared>>
      tpu.enqueue_dma source(%arg9 : memref<128x128xf32, #tpu.memory_space<vmem>>) target(%dma_start3A_59 : memref<128x128xf32, #tpu.memory_space<vmem_shared>>) target_semaphore(%run_scoped3A : memref<!tpu.dma_semaphore, #tpu.memory_space<semaphore_mem>>)
      %dma_wait3A = arith.constant 0 : i32
      %dma_wait3A_60 = tpu.memref_slice %arg10[%add3A_22, %dma_wait3A] : memref<10240x128xf32, #tpu.memory_space<vmem_shared>> -> memref<128x128xf32, #tpu.memory_space<vmem_shared>>
      %dma_wait3A_61 = arith.constant 0 : i32
      %dma_wait3A_62 = tpu.memref_slice %arg10[%add3A_22, %dma_wait3A_61] : memref<10240x128xf32, #tpu.memory_space<vmem_shared>> -> memref<128x128xf32, #tpu.memory_space<vmem_shared>>
      tpu.wait_dma2 semaphore(%run_scoped3A : memref<!tpu.dma_semaphore, #tpu.memory_space<semaphore_mem>>) src(%arg9 : memref<128x128xf32, #tpu.memory_space<vmem>>) dst(%dma_wait3A_62 : memref<128x128xf32, #tpu.memory_space<vmem_shared>>)
      tpu.yield
    }) : () -> ()
    %mul3A_23 = arith.constant 640 : i32
    %mul3A_24 = arith.muli %arg1, %mul3A_23 : i32
    %add3A_25 = arith.constant 512 : i32
    %add3A_26 = arith.addi %mul3A_24, %add3A_25 : i32
    "tpu.region"() ({
      %run_scoped3A = tpu.sem_alloc : memref<!tpu.dma_semaphore, #tpu.memory_space<semaphore_mem>>
      %dma_start3A = arith.constant 0 : i32
      %dma_start3A_57 = tpu.memref_slice %arg10[%add3A_26, %dma_start3A] : memref<10240x128xf32, #tpu.memory_space<vmem_shared>> -> memref<128x128xf32, #tpu.memory_space<vmem_shared>>
      %dma_start3A_58 = arith.constant 0 : i32
      %dma_start3A_59 = tpu.memref_slice %arg10[%add3A_26, %dma_start3A_58] : memref<10240x128xf32, #tpu.memory_space<vmem_shared>> -> memref<128x128xf32, #tpu.memory_space<vmem_shared>>
      tpu.enqueue_dma source(%arg9 : memref<128x128xf32, #tpu.memory_space<vmem>>) target(%dma_start3A_59 : memref<128x128xf32, #tpu.memory_space<vmem_shared>>) target_semaphore(%run_scoped3A : memref<!tpu.dma_semaphore, #tpu.memory_space<semaphore_mem>>)
      %dma_wait3A = arith.constant 0 : i32
      %dma_wait3A_60 = tpu.memref_slice %arg10[%add3A_26, %dma_wait3A] : memref<10240x128xf32, #tpu.memory_space<vmem_shared>> -> memref<128x128xf32, #tpu.memory_space<vmem_shared>>
      %dma_wait3A_61 = arith.constant 0 : i32
      %dma_wait3A_62 = tpu.memref_slice %arg10[%add3A_26, %dma_wait3A_61] : memref<10240x128xf32, #tpu.memory_space<vmem_shared>> -> memref<128x128xf32, #tpu.memory_space<vmem_shared>>
      tpu.wait_dma2 semaphore(%run_scoped3A : memref<!tpu.dma_semaphore, #tpu.memory_space<semaphore_mem>>) src(%arg9 : memref<128x128xf32, #tpu.memory_space<vmem>>) dst(%dma_wait3A_62 : memref<128x128xf32, #tpu.memory_space<vmem_shared>>)
      tpu.yield
    }) : () -> ()
    %barrier3A = arith.constant 0 : index
    tpu.barrier barrier_id(%barrier3A)
    %mul3A_27 = arith.constant 10000 : i32
    %mul3A_28 = arith.muli %add3A, %mul3A_27 : i32
    %scan3A_29 = arith.constant 0 : i32
    %scan3A_30 = arith.constant 0 : i32
    %scan3A_31 = arith.constant 125 : i32
    %scan3A_32 = arith.addi %scan3A_30, %scan3A_31 : i32
    %scan3A_33 = arith.constant 1 : i32
    %scan3A_34 = scf.for %scan3A_57 = %scan3A_30 to %scan3A_32 step %scan3A_33 iter_args(%scan3A_58 = %scan3A_29) -> (i32)  : i32 {
      %mul3A_59 = arith.constant 80 : i32
      %mul3A_60 = arith.muli %scan3A_57, %mul3A_59 : i32
      %add3A_61 = arith.addi %mul3A_28, %mul3A_60 : i32
      "tpu.region"() ({
        %run_scoped3A = tpu.sem_alloc : memref<!tpu.dma_semaphore, #tpu.memory_space<semaphore_mem>>
        %dma_start3A_67 = tpu.memref_slice %arg3[%add3A_61] : memref<320000xi32, #tpu.memory_space<hbm>> -> memref<80xi32, #tpu.memory_space<hbm>>
        %dma_start3A_68 = tpu.memref_slice %arg3[%add3A_61] : memref<320000xi32, #tpu.memory_space<hbm>> -> memref<80xi32, #tpu.memory_space<hbm>>
        tpu.enqueue_dma source(%dma_start3A_68 : memref<80xi32, #tpu.memory_space<hbm>>) target(%arg6 : memref<80xi32, #tpu.memory_space<vmem>>) target_semaphore(%run_scoped3A : memref<!tpu.dma_semaphore, #tpu.memory_space<semaphore_mem>>)
        %dma_wait3A_69 = tpu.memref_slice %arg3[%add3A_61] : memref<320000xi32, #tpu.memory_space<hbm>> -> memref<80xi32, #tpu.memory_space<hbm>>
        %dma_wait3A_70 = tpu.memref_slice %arg3[%add3A_61] : memref<320000xi32, #tpu.memory_space<hbm>> -> memref<80xi32, #tpu.memory_space<hbm>>
        tpu.wait_dma2 semaphore(%run_scoped3A : memref<!tpu.dma_semaphore, #tpu.memory_space<semaphore_mem>>) src(%dma_wait3A_70 : memref<80xi32, #tpu.memory_space<hbm>>) dst(%arg6 : memref<80xi32, #tpu.memory_space<vmem>>)
        tpu.yield
      }) : () -> ()
      "tpu.region"() ({
        %run_scoped3A = tpu.sem_alloc : memref<!tpu.dma_semaphore, #tpu.memory_space<semaphore_mem>>
        %dma_start3A_67 = tpu.memref_slice %arg4[%add3A_61] : memref<320000xi32, #tpu.memory_space<hbm>> -> memref<80xi32, #tpu.memory_space<hbm>>
        %dma_start3A_68 = tpu.memref_slice %arg4[%add3A_61] : memref<320000xi32, #tpu.memory_space<hbm>> -> memref<80xi32, #tpu.memory_space<hbm>>
        tpu.enqueue_dma source(%dma_start3A_68 : memref<80xi32, #tpu.memory_space<hbm>>) target(%arg7 : memref<80xi32, #tpu.memory_space<vmem>>) target_semaphore(%run_scoped3A : memref<!tpu.dma_semaphore, #tpu.memory_space<semaphore_mem>>)
        %dma_wait3A_69 = tpu.memref_slice %arg4[%add3A_61] : memref<320000xi32, #tpu.memory_space<hbm>> -> memref<80xi32, #tpu.memory_space<hbm>>
        %dma_wait3A_70 = tpu.memref_slice %arg4[%add3A_61] : memref<320000xi32, #tpu.memory_space<hbm>> -> memref<80xi32, #tpu.memory_space<hbm>>
        tpu.wait_dma2 semaphore(%run_scoped3A : memref<!tpu.dma_semaphore, #tpu.memory_space<semaphore_mem>>) src(%dma_wait3A_70 : memref<80xi32, #tpu.memory_space<hbm>>) dst(%arg7 : memref<80xi32, #tpu.memory_space<vmem>>)
        tpu.yield
      }) : () -> ()
      %dma_start3A = arith.constant 0 : i32
      %dma_start3A_62 = arith.constant 0 : i32
      %dma_start3A_63 = tpu.memref_slice %arg2[%dma_start3A, %dma_start3A_62] : memref<10000x128xf32, #tpu.memory_space<hbm>> -> memref<10000x128xf32, #tpu.memory_space<hbm>>
      tpu.enqueue_indirect_dma source(%dma_start3A_63 : memref<10000x128xf32, #tpu.memory_space<hbm>>) target(%arg8 : memref<80x128xf32, #tpu.memory_space<vmem>>) offsets(%arg6 : memref<80xi32, #tpu.memory_space<vmem>>) semaphore(%arg11 : memref<!tpu.dma_semaphore, #tpu.memory_space<semaphore_mem>>)
      %dma_wait3A = arith.constant 0 : i32
      %dma_wait3A_64 = arith.constant 0 : i32
      %dma_wait3A_65 = tpu.memref_slice %arg2[%dma_wait3A, %dma_wait3A_64] : memref<10000x128xf32, #tpu.memory_space<hbm>> -> memref<10000x128xf32, #tpu.memory_space<hbm>>
      tpu.wait_indirect_dma semaphore(%arg11 : memref<!tpu.dma_semaphore, #tpu.memory_space<semaphore_mem>>) src(%dma_wait3A_65 : memref<10000x128xf32, #tpu.memory_space<hbm>>) dst(%arg8 : memref<80x128xf32, #tpu.memory_space<vmem>>)
      "tpu.region"() ({
        %run_scoped3A = tpu.sem_alloc : memref<!tpu.dma_semaphore, #tpu.memory_space<semaphore_mem>>
        %dma_start3A_67 = arith.constant 0 : i32
        %dma_start3A_68 = arith.constant 0 : i32
        %dma_start3A_69 = tpu.memref_slice %arg10[%dma_start3A_67, %dma_start3A_68] : memref<10240x128xf32, #tpu.memory_space<vmem_shared>> -> memref<10240x128xf32, #tpu.memory_space<vmem_shared>>
        tpu.enqueue_indirect_dma source(%arg8 : memref<80x128xf32, #tpu.memory_space<vmem>>) target(%dma_start3A_69 : memref<10240x128xf32, #tpu.memory_space<vmem_shared>>) offsets(%arg7 : memref<80xi32, #tpu.memory_space<vmem>>) semaphore(%run_scoped3A : memref<!tpu.dma_semaphore, #tpu.memory_space<semaphore_mem>>) {add = true}
        %dma_wait3A_70 = arith.constant 0 : i32
        %dma_wait3A_71 = arith.constant 0 : i32
        %dma_wait3A_72 = tpu.memref_slice %arg10[%dma_wait3A_70, %dma_wait3A_71] : memref<10240x128xf32, #tpu.memory_space<vmem_shared>> -> memref<10240x128xf32, #tpu.memory_space<vmem_shared>>
        tpu.wait_indirect_dma semaphore(%run_scoped3A : memref<!tpu.dma_semaphore, #tpu.memory_space<semaphore_mem>>) src(%arg8 : memref<80x128xf32, #tpu.memory_space<vmem>>) dst(%dma_wait3A_72 : memref<10240x128xf32, #tpu.memory_space<vmem_shared>>)
        tpu.yield
      }) : () -> ()
      %scan3A_66 = arith.constant 0 : i32
      scf.yield %scan3A_66 : i32
    }
    %scan3A_35 = arith.constant 125 : i32
    %barrier3A_36 = arith.constant 0 : index
    tpu.barrier barrier_id(%barrier3A_36)
    %mul3A_37 = arith.constant 640 : i32
    %mul3A_38 = arith.muli %arg1, %mul3A_37 : i32
    %add3A_39 = arith.constant 0 : i32
    %add3A_40 = arith.addi %mul3A_38, %add3A_39 : i32
    "tpu.region"() ({
      %run_scoped3A = tpu.sem_alloc : memref<!tpu.dma_semaphore, #tpu.memory_space<semaphore_mem>>
      %dma_start3A = arith.constant 0 : i32
      %dma_start3A_57 = tpu.memref_slice %arg5[%arg0, %add3A_40, %dma_start3A] : memref<2x10240x128xf32, #tpu.memory_space<hbm>> -> memref<1x128x128xf32, #tpu.memory_space<hbm>>
      %dma_start3A_58 = tpu.memref_squeeze %dma_start3A_57 : memref<1x128x128xf32, #tpu.memory_space<hbm>> -> memref<128x128xf32, #tpu.memory_space<hbm>>
      %dma_start3A_59 = arith.constant 0 : i32
      %dma_start3A_60 = tpu.memref_slice %arg10[%add3A_40, %dma_start3A_59] : memref<10240x128xf32, #tpu.memory_space<vmem_shared>> -> memref<128x128xf32, #tpu.memory_space<vmem_shared>>
      tpu.enqueue_dma source(%dma_start3A_60 : memref<128x128xf32, #tpu.memory_space<vmem_shared>>) target(%dma_start3A_58 : memref<128x128xf32, #tpu.memory_space<hbm>>) target_semaphore(%run_scoped3A : memref<!tpu.dma_semaphore, #tpu.memory_space<semaphore_mem>>)
      %dma_wait3A = arith.constant 0 : i32
      %dma_wait3A_61 = tpu.memref_slice %arg5[%arg0, %add3A_40, %dma_wait3A] : memref<2x10240x128xf32, #tpu.memory_space<hbm>> -> memref<1x128x128xf32, #tpu.memory_space<hbm>>
      %dma_wait3A_62 = tpu.memref_squeeze %dma_wait3A_61 : memref<1x128x128xf32, #tpu.memory_space<hbm>> -> memref<128x128xf32, #tpu.memory_space<hbm>>
      %dma_wait3A_63 = arith.constant 0 : i32
      %dma_wait3A_64 = tpu.memref_slice %arg10[%add3A_40, %dma_wait3A_63] : memref<10240x128xf32, #tpu.memory_space<vmem_shared>> -> memref<128x128xf32, #tpu.memory_space<vmem_shared>>
      tpu.wait_dma2 semaphore(%run_scoped3A : memref<!tpu.dma_semaphore, #tpu.memory_space<semaphore_mem>>) src(%dma_wait3A_64 : memref<128x128xf32, #tpu.memory_space<vmem_shared>>) dst(%dma_wait3A_62 : memref<128x128xf32, #tpu.memory_space<hbm>>)
      tpu.yield
    }) : () -> ()
    %mul3A_41 = arith.constant 640 : i32
    %mul3A_42 = arith.muli %arg1, %mul3A_41 : i32
    %add3A_43 = arith.constant 128 : i32
    %add3A_44 = arith.addi %mul3A_42, %add3A_43 : i32
    "tpu.region"() ({
      %run_scoped3A = tpu.sem_alloc : memref<!tpu.dma_semaphore, #tpu.memory_space<semaphore_mem>>
      %dma_start3A = arith.constant 0 : i32
      %dma_start3A_57 = tpu.memref_slice %arg5[%arg0, %add3A_44, %dma_start3A] : memref<2x10240x128xf32, #tpu.memory_space<hbm>> -> memref<1x128x128xf32, #tpu.memory_space<hbm>>
      %dma_start3A_58 = tpu.memref_squeeze %dma_start3A_57 : memref<1x128x128xf32, #tpu.memory_space<hbm>> -> memref<128x128xf32, #tpu.memory_space<hbm>>
      %dma_start3A_59 = arith.constant 0 : i32
      %dma_start3A_60 = tpu.memref_slice %arg10[%add3A_44, %dma_start3A_59] : memref<10240x128xf32, #tpu.memory_space<vmem_shared>> -> memref<128x128xf32, #tpu.memory_space<vmem_shared>>
      tpu.enqueue_dma source(%dma_start3A_60 : memref<128x128xf32, #tpu.memory_space<vmem_shared>>) target(%dma_start3A_58 : memref<128x128xf32, #tpu.memory_space<hbm>>) target_semaphore(%run_scoped3A : memref<!tpu.dma_semaphore, #tpu.memory_space<semaphore_mem>>)
      %dma_wait3A = arith.constant 0 : i32
      %dma_wait3A_61 = tpu.memref_slice %arg5[%arg0, %add3A_44, %dma_wait3A] : memref<2x10240x128xf32, #tpu.memory_space<hbm>> -> memref<1x128x128xf32, #tpu.memory_space<hbm>>
      %dma_wait3A_62 = tpu.memref_squeeze %dma_wait3A_61 : memref<1x128x128xf32, #tpu.memory_space<hbm>> -> memref<128x128xf32, #tpu.memory_space<hbm>>
      %dma_wait3A_63 = arith.constant 0 : i32
      %dma_wait3A_64 = tpu.memref_slice %arg10[%add3A_44, %dma_wait3A_63] : memref<10240x128xf32, #tpu.memory_space<vmem_shared>> -> memref<128x128xf32, #tpu.memory_space<vmem_shared>>
      tpu.wait_dma2 semaphore(%run_scoped3A : memref<!tpu.dma_semaphore, #tpu.memory_space<semaphore_mem>>) src(%dma_wait3A_64 : memref<128x128xf32, #tpu.memory_space<vmem_shared>>) dst(%dma_wait3A_62 : memref<128x128xf32, #tpu.memory_space<hbm>>)
      tpu.yield
    }) : () -> ()
    %mul3A_45 = arith.constant 640 : i32
    %mul3A_46 = arith.muli %arg1, %mul3A_45 : i32
    %add3A_47 = arith.constant 256 : i32
    %add3A_48 = arith.addi %mul3A_46, %add3A_47 : i32
    "tpu.region"() ({
      %run_scoped3A = tpu.sem_alloc : memref<!tpu.dma_semaphore, #tpu.memory_space<semaphore_mem>>
      %dma_start3A = arith.constant 0 : i32
      %dma_start3A_57 = tpu.memref_slice %arg5[%arg0, %add3A_48, %dma_start3A] : memref<2x10240x128xf32, #tpu.memory_space<hbm>> -> memref<1x128x128xf32, #tpu.memory_space<hbm>>
      %dma_start3A_58 = tpu.memref_squeeze %dma_start3A_57 : memref<1x128x128xf32, #tpu.memory_space<hbm>> -> memref<128x128xf32, #tpu.memory_space<hbm>>
      %dma_start3A_59 = arith.constant 0 : i32
      %dma_start3A_60 = tpu.memref_slice %arg10[%add3A_48, %dma_start3A_59] : memref<10240x128xf32, #tpu.memory_space<vmem_shared>> -> memref<128x128xf32, #tpu.memory_space<vmem_shared>>
      tpu.enqueue_dma source(%dma_start3A_60 : memref<128x128xf32, #tpu.memory_space<vmem_shared>>) target(%dma_start3A_58 : memref<128x128xf32, #tpu.memory_space<hbm>>) target_semaphore(%run_scoped3A : memref<!tpu.dma_semaphore, #tpu.memory_space<semaphore_mem>>)
      %dma_wait3A = arith.constant 0 : i32
      %dma_wait3A_61 = tpu.memref_slice %arg5[%arg0, %add3A_48, %dma_wait3A] : memref<2x10240x128xf32, #tpu.memory_space<hbm>> -> memref<1x128x128xf32, #tpu.memory_space<hbm>>
      %dma_wait3A_62 = tpu.memref_squeeze %dma_wait3A_61 : memref<1x128x128xf32, #tpu.memory_space<hbm>> -> memref<128x128xf32, #tpu.memory_space<hbm>>
      %dma_wait3A_63 = arith.constant 0 : i32
      %dma_wait3A_64 = tpu.memref_slice %arg10[%add3A_48, %dma_wait3A_63] : memref<10240x128xf32, #tpu.memory_space<vmem_shared>> -> memref<128x128xf32, #tpu.memory_space<vmem_shared>>
      tpu.wait_dma2 semaphore(%run_scoped3A : memref<!tpu.dma_semaphore, #tpu.memory_space<semaphore_mem>>) src(%dma_wait3A_64 : memref<128x128xf32, #tpu.memory_space<vmem_shared>>) dst(%dma_wait3A_62 : memref<128x128xf32, #tpu.memory_space<hbm>>)
      tpu.yield
    }) : () -> ()
    %mul3A_49 = arith.constant 640 : i32
    %mul3A_50 = arith.muli %arg1, %mul3A_49 : i32
    %add3A_51 = arith.constant 384 : i32
    %add3A_52 = arith.addi %mul3A_50, %add3A_51 : i32
    "tpu.region"() ({
      %run_scoped3A = tpu.sem_alloc : memref<!tpu.dma_semaphore, #tpu.memory_space<semaphore_mem>>
      %dma_start3A = arith.constant 0 : i32
      %dma_start3A_57 = tpu.memref_slice %arg5[%arg0, %add3A_52, %dma_start3A] : memref<2x10240x128xf32, #tpu.memory_space<hbm>> -> memref<1x128x128xf32, #tpu.memory_space<hbm>>
      %dma_start3A_58 = tpu.memref_squeeze %dma_start3A_57 : memref<1x128x128xf32, #tpu.memory_space<hbm>> -> memref<128x128xf32, #tpu.memory_space<hbm>>
      %dma_start3A_59 = arith.constant 0 : i32
      %dma_start3A_60 = tpu.memref_slice %arg10[%add3A_52, %dma_start3A_59] : memref<10240x128xf32, #tpu.memory_space<vmem_shared>> -> memref<128x128xf32, #tpu.memory_space<vmem_shared>>
      tpu.enqueue_dma source(%dma_start3A_60 : memref<128x128xf32, #tpu.memory_space<vmem_shared>>) target(%dma_start3A_58 : memref<128x128xf32, #tpu.memory_space<hbm>>) target_semaphore(%run_scoped3A : memref<!tpu.dma_semaphore, #tpu.memory_space<semaphore_mem>>)
      %dma_wait3A = arith.constant 0 : i32
      %dma_wait3A_61 = tpu.memref_slice %arg5[%arg0, %add3A_52, %dma_wait3A] : memref<2x10240x128xf32, #tpu.memory_space<hbm>> -> memref<1x128x128xf32, #tpu.memory_space<hbm>>
      %dma_wait3A_62 = tpu.memref_squeeze %dma_wait3A_61 : memref<1x128x128xf32, #tpu.memory_space<hbm>> -> memref<128x128xf32, #tpu.memory_space<hbm>>
      %dma_wait3A_63 = arith.constant 0 : i32
      %dma_wait3A_64 = tpu.memref_slice %arg10[%add3A_52, %dma_wait3A_63] : memref<10240x128xf32, #tpu.memory_space<vmem_shared>> -> memref<128x128xf32, #tpu.memory_space<vmem_shared>>
      tpu.wait_dma2 semaphore(%run_scoped3A : memref<!tpu.dma_semaphore, #tpu.memory_space<semaphore_mem>>) src(%dma_wait3A_64 : memref<128x128xf32, #tpu.memory_space<vmem_shared>>) dst(%dma_wait3A_62 : memref<128x128xf32, #tpu.memory_space<hbm>>)
      tpu.yield
    }) : () -> ()
    %mul3A_53 = arith.constant 640 : i32
    %mul3A_54 = arith.muli %arg1, %mul3A_53 : i32
    %add3A_55 = arith.constant 512 : i32
    %add3A_56 = arith.addi %mul3A_54, %add3A_55 : i32
    "tpu.region"() ({
      %run_scoped3A = tpu.sem_alloc : memref<!tpu.dma_semaphore, #tpu.memory_space<semaphore_mem>>
      %dma_start3A = arith.constant 0 : i32
      %dma_start3A_57 = tpu.memref_slice %arg5[%arg0, %add3A_56, %dma_start3A] : memref<2x10240x128xf32, #tpu.memory_space<hbm>> -> memref<1x128x128xf32, #tpu.memory_space<hbm>>
      %dma_start3A_58 = tpu.memref_squeeze %dma_start3A_57 : memref<1x128x128xf32, #tpu.memory_space<hbm>> -> memref<128x128xf32, #tpu.memory_space<hbm>>
      %dma_start3A_59 = arith.constant 0 : i32
      %dma_start3A_60 = tpu.memref_slice %arg10[%add3A_56, %dma_start3A_59] : memref<10240x128xf32, #tpu.memory_space<vmem_shared>> -> memref<128x128xf32, #tpu.memory_space<vmem_shared>>
      tpu.enqueue_dma source(%dma_start3A_60 : memref<128x128xf32, #tpu.memory_space<vmem_shared>>) target(%dma_start3A_58 : memref<128x128xf32, #tpu.memory_space<hbm>>) target_semaphore(%run_scoped3A : memref<!tpu.dma_semaphore, #tpu.memory_space<semaphore_mem>>)
      %dma_wait3A = arith.constant 0 : i32
      %dma_wait3A_61 = tpu.memref_slice %arg5[%arg0, %add3A_56, %dma_wait3A] : memref<2x10240x128xf32, #tpu.memory_space<hbm>> -> memref<1x128x128xf32, #tpu.memory_space<hbm>>
      %dma_wait3A_62 = tpu.memref_squeeze %dma_wait3A_61 : memref<1x128x128xf32, #tpu.memory_space<hbm>> -> memref<128x128xf32, #tpu.memory_space<hbm>>
      %dma_wait3A_63 = arith.constant 0 : i32
      %dma_wait3A_64 = tpu.memref_slice %arg10[%add3A_56, %dma_wait3A_63] : memref<10240x128xf32, #tpu.memory_space<vmem_shared>> -> memref<128x128xf32, #tpu.memory_space<vmem_shared>>
      tpu.wait_dma2 semaphore(%run_scoped3A : memref<!tpu.dma_semaphore, #tpu.memory_space<semaphore_mem>>) src(%dma_wait3A_64 : memref<128x128xf32, #tpu.memory_space<vmem_shared>>) dst(%dma_wait3A_62 : memref<128x128xf32, #tpu.memory_space<hbm>>)
      tpu.yield
    }) : () -> ()
    return
  }
}

module attributes {stable_mosaic.version = 14 : i64} {
  func.func @_tc2_body(%arg0: i32, %arg1: memref<2x1000x1xf32, #tpu.memory_space<vmem>>, %arg2: memref<2x1000x128xf32, #tpu.memory_space<vmem>>, %arg3: memref<1000x128xf32, #tpu.memory_space<vmem>>, %arg4: memref<128x128xf32, #tpu.memory_space<vmem>>, %arg5: memref<128xf32, #tpu.memory_space<vmem>>, %arg6: memref<1000x128xf32, #tpu.memory_space<vmem>>) attributes {dimension_semantics = [#tpu.dimension_semantics<arbitrary>], iteration_bounds = array<i64: 10>, scalar_prefetch = 0 : i64, scratch_operands = 0 : i64, tpu.core_type = #tpu.core_type<tc>, window_params = [{transform_indices = @transform_0, window_bounds = array<i64: 2, 1000, 1>}, {transform_indices = @transform_1, window_bounds = array<i64: 2, 1000, 128>}, {transform_indices = @transform_2, window_bounds = array<i64: 1000, 128>}, {pipeline_mode = #tpu.pipeline_mode<synchronous>, transform_indices = @transform_3, window_bounds = array<i64: 128, 128>}, {pipeline_mode = #tpu.pipeline_mode<synchronous>, transform_indices = @transform_4, window_bounds = array<i64: 128>}, {transform_indices = @transform_5, window_bounds = array<i64: 1000, 128>}]} {
    %get3A = arith.constant 0 : index
    %get3A_0 = arith.constant 0 : index
    %get3A_1 = arith.constant 0 : index
    %get3A_2 = vector.load %arg1[%get3A, %get3A_0, %get3A_1] : memref<2x1000x1xf32, #tpu.memory_space<vmem>>, vector<1x1000x1xf32>
    %get3A_3 = vector.shape_cast %get3A_2 : vector<1x1000x1xf32> to vector<1000xf32>
    %get3A_4 = arith.constant 1 : index
    %get3A_5 = arith.constant 0 : index
    %get3A_6 = arith.constant 0 : index
    %get3A_7 = vector.load %arg1[%get3A_4, %get3A_5, %get3A_6] : memref<2x1000x1xf32, #tpu.memory_space<vmem>>, vector<1x1000x1xf32>
    %get3A_8 = vector.shape_cast %get3A_7 : vector<1x1000x1xf32> to vector<1000xf32>
    %add3A = arith.addf %get3A_3, %get3A_8 : vector<1000xf32>
    %add3A_9 = arith.constant 1.000000e+00 : f32
    %add3A_10 = vector.broadcast %add3A_9 : f32 to vector<1000xf32>
    %add3A_11 = arith.addf %add3A, %add3A_10 : vector<1000xf32>
    %rsqrt3A = math.rsqrt %add3A_11 : vector<1000xf32>
    %get3A_12 = arith.constant 0 : index
    %get3A_13 = arith.constant 0 : index
    %get3A_14 = arith.constant 0 : index
    %get3A_15 = vector.load %arg2[%get3A_12, %get3A_13, %get3A_14] : memref<2x1000x128xf32, #tpu.memory_space<vmem>>, vector<1x1000x128xf32>
    %get3A_16 = vector.shape_cast %get3A_15 : vector<1x1000x128xf32> to vector<1000x128xf32>
    %get3A_17 = arith.constant 1 : index
    %get3A_18 = arith.constant 0 : index
    %get3A_19 = arith.constant 0 : index
    %get3A_20 = vector.load %arg2[%get3A_17, %get3A_18, %get3A_19] : memref<2x1000x128xf32, #tpu.memory_space<vmem>>, vector<1x1000x128xf32>
    %get3A_21 = vector.shape_cast %get3A_20 : vector<1x1000x128xf32> to vector<1000x128xf32>
    %add3A_22 = arith.addf %get3A_16, %get3A_21 : vector<1000x128xf32>
    %get3A_23 = arith.constant 0 : index
    %get3A_24 = arith.constant 0 : index
    %get3A_25 = vector.load %arg3[%get3A_23, %get3A_24] : memref<1000x128xf32, #tpu.memory_space<vmem>>, vector<1000x128xf32>
    %add3A_26 = arith.addf %add3A_22, %get3A_25 : vector<1000x128xf32>
    %broadcast_in_dim3A = vector.shape_cast %rsqrt3A : vector<1000xf32> to vector<1000x1xf32>
    %mul3A = vector.broadcast %broadcast_in_dim3A : vector<1000x1xf32> to vector<1000x128xf32>
    %mul3A_27 = arith.mulf %add3A_26, %mul3A : vector<1000x128xf32>
    %get3A_28 = arith.constant 0 : index
    %get3A_29 = arith.constant 0 : index
    %get3A_30 = vector.load %arg4[%get3A_28, %get3A_29] : memref<128x128xf32, #tpu.memory_space<vmem>>, vector<128x128xf32>
    %dot_general3A = arith.constant dense<0.000000e+00> : vector<1000x128xf32>
    %dot_general3A_31 = tpu.matmul %mul3A_27, %get3A_30, %dot_general3A {dimension_numbers = #tpu.dot_dimension_numbers<[1], [0], [0], [1], [0, 0, 1, 1], [], []>, transpose_lhs_hint = false} : vector<1000x128xf32>, vector<128x128xf32>, vector<1000x128xf32> -> vector<1000x128xf32>
    %get3A_32 = arith.constant 0 : index
    %get3A_33 = vector.load %arg5[%get3A_32] : memref<128xf32, #tpu.memory_space<vmem>>, vector<128xf32>
    %broadcast_in_dim3A_34 = vector.shape_cast %get3A_33 : vector<128xf32> to vector<1x128xf32>
    %add3A_35 = vector.broadcast %broadcast_in_dim3A_34 : vector<1x128xf32> to vector<1000x128xf32>
    %add3A_36 = arith.addf %dot_general3A_31, %add3A_35 : vector<1000x128xf32>
    %max3A = arith.constant 0.000000e+00 : f32
    %max3A_37 = vector.broadcast %max3A : f32 to vector<1000x128xf32>
    %max3A_38 = arith.maximumf %add3A_36, %max3A_37 : vector<1000x128xf32>
    %broadcast_in_dim3A_39 = vector.shape_cast %rsqrt3A : vector<1000xf32> to vector<1000x1xf32>
    %mul3A_40 = vector.broadcast %broadcast_in_dim3A_39 : vector<1000x1xf32> to vector<1000x128xf32>
    %mul3A_41 = arith.mulf %max3A_38, %mul3A_40 : vector<1000x128xf32>
    %swap3A = arith.constant 0 : index
    %swap3A_42 = arith.constant 0 : index
    %swap3A_43 = vector.load %arg6[%swap3A, %swap3A_42] : memref<1000x128xf32, #tpu.memory_space<vmem>>, vector<1000x128xf32>
    tpu.vector_store %arg6[%swap3A, %swap3A_42], %mul3A_41 {strides = array<i32>} : memref<1000x128xf32, #tpu.memory_space<vmem>>, vector<1000x128xf32>,
    return
  }
  func.func @transform_0(%arg0: i32) -> (i32, i32, i32) {
    %c0_i32 = arith.constant 0 : i32
    %c0_i32_0 = arith.constant 0 : i32
    %c0_i32_1 = arith.constant 0 : i32
    return %c0_i32, %arg0, %c0_i32_0 : i32, i32, i32
  }
  func.func @transform_1(%arg0: i32) -> (i32, i32, i32) {
    %c0_i32 = arith.constant 0 : i32
    %c0_i32_0 = arith.constant 0 : i32
    %c0_i32_1 = arith.constant 0 : i32
    return %c0_i32, %arg0, %c0_i32_0 : i32, i32, i32
  }
  func.func @transform_2(%arg0: i32) -> (i32, i32) {
    %c0_i32 = arith.constant 0 : i32
    %c0_i32_0 = arith.constant 0 : i32
    return %arg0, %c0_i32 : i32, i32
  }
  func.func @transform_3(%arg0: i32) -> (i32, i32) {
    %c0_i32 = arith.constant 0 : i32
    %c0_i32_0 = arith.constant 0 : i32
    %c0_i32_1 = arith.constant 0 : i32
    return %c0_i32, %c0_i32_0 : i32, i32
  }
  func.func @transform_4(%arg0: i32) -> i32 {
    %c0_i32 = arith.constant 0 : i32
    %c0_i32_0 = arith.constant 0 : i32
    return %c0_i32 : i32
  }
  func.func @transform_5(%arg0: i32) -> (i32, i32) {
    %c0_i32 = arith.constant 0 : i32
    %c0_i32_0 = arith.constant 0 : i32
    return %arg0, %c0_i32 : i32, i32
  }
}

module attributes {stable_mosaic.version = 14 : i64} {
  func.func @_tc1_body(%arg0: i32, %arg1: memref<2x1000x1xf32, #tpu.memory_space<vmem>>, %arg2: memref<1000x128xf32, #tpu.memory_space<vmem>>, %arg3: memref<1000x128xf32, #tpu.memory_space<vmem>>) attributes {dimension_semantics = [#tpu.dimension_semantics<arbitrary>], iteration_bounds = array<i64: 10>, scalar_prefetch = 0 : i64, scratch_operands = 0 : i64, tpu.core_type = #tpu.core_type<tc>, window_params = [{transform_indices = @transform_0, window_bounds = array<i64: 2, 1000, 1>}, {transform_indices = @transform_1, window_bounds = array<i64: 1000, 128>}, {transform_indices = @transform_2, window_bounds = array<i64: 1000, 128>}]} {
    %get3A = arith.constant 0 : index
    %get3A_0 = arith.constant 0 : index
    %get3A_1 = arith.constant 0 : index
    %get3A_2 = vector.load %arg1[%get3A, %get3A_0, %get3A_1] : memref<2x1000x1xf32, #tpu.memory_space<vmem>>, vector<1x1000x1xf32>
    %get3A_3 = vector.shape_cast %get3A_2 : vector<1x1000x1xf32> to vector<1000xf32>
    %get3A_4 = arith.constant 1 : index
    %get3A_5 = arith.constant 0 : index
    %get3A_6 = arith.constant 0 : index
    %get3A_7 = vector.load %arg1[%get3A_4, %get3A_5, %get3A_6] : memref<2x1000x1xf32, #tpu.memory_space<vmem>>, vector<1x1000x1xf32>
    %get3A_8 = vector.shape_cast %get3A_7 : vector<1x1000x1xf32> to vector<1000xf32>
    %add3A = arith.addf %get3A_3, %get3A_8 : vector<1000xf32>
    %add3A_9 = arith.constant 1.000000e+00 : f32
    %add3A_10 = vector.broadcast %add3A_9 : f32 to vector<1000xf32>
    %add3A_11 = arith.addf %add3A, %add3A_10 : vector<1000xf32>
    %rsqrt3A = math.rsqrt %add3A_11 : vector<1000xf32>
    %get3A_12 = arith.constant 0 : index
    %get3A_13 = arith.constant 0 : index
    %get3A_14 = vector.load %arg2[%get3A_12, %get3A_13] : memref<1000x128xf32, #tpu.memory_space<vmem>>, vector<1000x128xf32>
    %broadcast_in_dim3A = vector.shape_cast %rsqrt3A : vector<1000xf32> to vector<1000x1xf32>
    %mul3A = vector.broadcast %broadcast_in_dim3A : vector<1000x1xf32> to vector<1000x128xf32>
    %mul3A_15 = arith.mulf %get3A_14, %mul3A : vector<1000x128xf32>
    %swap3A = arith.constant 0 : index
    %swap3A_16 = arith.constant 0 : index
    %swap3A_17 = vector.load %arg3[%swap3A, %swap3A_16] : memref<1000x128xf32, #tpu.memory_space<vmem>>, vector<1000x128xf32>
    tpu.vector_store %arg3[%swap3A, %swap3A_16], %mul3A_15 {strides = array<i32>} : memref<1000x128xf32, #tpu.memory_space<vmem>>, vector<1000x128xf32>,
    return
  }
  func.func @transform_0(%arg0: i32) -> (i32, i32, i32) {
    %c0_i32 = arith.constant 0 : i32
    %c0_i32_0 = arith.constant 0 : i32
    %c0_i32_1 = arith.constant 0 : i32
    return %c0_i32, %arg0, %c0_i32_0 : i32, i32, i32
  }
  func.func @transform_1(%arg0: i32) -> (i32, i32) {
    %c0_i32 = arith.constant 0 : i32
    %c0_i32_0 = arith.constant 0 : i32
    return %arg0, %c0_i32 : i32, i32
  }
  func.func @transform_2(%arg0: i32) -> (i32, i32) {
    %c0_i32 = arith.constant 0 : i32
    %c0_i32_0 = arith.constant 0 : i32
    return %arg0, %c0_i32 : i32, i32
  }
}

module attributes {stable_mosaic.version = 14 : i64} {
  func.func @_tc3_body(%arg0: i32, %arg1: memref<2x1000x1xf32, #tpu.memory_space<vmem>>, %arg2: memref<2x1000x128xf32, #tpu.memory_space<vmem>>, %arg3: memref<1000x128xf32, #tpu.memory_space<vmem>>, %arg4: memref<128x64xf32, #tpu.memory_space<vmem>>, %arg5: memref<64xf32, #tpu.memory_space<vmem>>, %arg6: memref<128x64xf32, #tpu.memory_space<vmem>>, %arg7: memref<64xf32, #tpu.memory_space<vmem>>, %arg8: memref<1000x64xf32, #tpu.memory_space<vmem>>, %arg9: memref<1000x64xf32, #tpu.memory_space<vmem>>) attributes {dimension_semantics = [#tpu.dimension_semantics<arbitrary>], iteration_bounds = array<i64: 10>, scalar_prefetch = 0 : i64, scratch_operands = 0 : i64, tpu.core_type = #tpu.core_type<tc>, window_params = [{transform_indices = @transform_0, window_bounds = array<i64: 2, 1000, 1>}, {transform_indices = @transform_1, window_bounds = array<i64: 2, 1000, 128>}, {transform_indices = @transform_2, window_bounds = array<i64: 1000, 128>}, {pipeline_mode = #tpu.pipeline_mode<synchronous>, transform_indices = @transform_3, window_bounds = array<i64: 128, 64>}, {pipeline_mode = #tpu.pipeline_mode<synchronous>, transform_indices = @transform_4, window_bounds = array<i64: 64>}, {pipeline_mode = #tpu.pipeline_mode<synchronous>, transform_indices = @transform_5, window_bounds = array<i64: 128, 64>}, {pipeline_mode = #tpu.pipeline_mode<synchronous>, transform_indices = @transform_6, window_bounds = array<i64: 64>}, {transform_indices = @transform_7, window_bounds = array<i64: 1000, 64>}, {transform_indices = @transform_8, window_bounds = array<i64: 1000, 64>}]} {
    %get3A = arith.constant 0 : index
    %get3A_0 = arith.constant 0 : index
    %get3A_1 = arith.constant 0 : index
    %get3A_2 = vector.load %arg1[%get3A, %get3A_0, %get3A_1] : memref<2x1000x1xf32, #tpu.memory_space<vmem>>, vector<1x1000x1xf32>
    %get3A_3 = vector.shape_cast %get3A_2 : vector<1x1000x1xf32> to vector<1000xf32>
    %get3A_4 = arith.constant 1 : index
    %get3A_5 = arith.constant 0 : index
    %get3A_6 = arith.constant 0 : index
    %get3A_7 = vector.load %arg1[%get3A_4, %get3A_5, %get3A_6] : memref<2x1000x1xf32, #tpu.memory_space<vmem>>, vector<1x1000x1xf32>
    %get3A_8 = vector.shape_cast %get3A_7 : vector<1x1000x1xf32> to vector<1000xf32>
    %add3A = arith.addf %get3A_3, %get3A_8 : vector<1000xf32>
    %add3A_9 = arith.constant 1.000000e+00 : f32
    %add3A_10 = vector.broadcast %add3A_9 : f32 to vector<1000xf32>
    %add3A_11 = arith.addf %add3A, %add3A_10 : vector<1000xf32>
    %rsqrt3A = math.rsqrt %add3A_11 : vector<1000xf32>
    %get3A_12 = arith.constant 0 : index
    %get3A_13 = arith.constant 0 : index
    %get3A_14 = arith.constant 0 : index
    %get3A_15 = vector.load %arg2[%get3A_12, %get3A_13, %get3A_14] : memref<2x1000x128xf32, #tpu.memory_space<vmem>>, vector<1x1000x128xf32>
    %get3A_16 = vector.shape_cast %get3A_15 : vector<1x1000x128xf32> to vector<1000x128xf32>
    %get3A_17 = arith.constant 1 : index
    %get3A_18 = arith.constant 0 : index
    %get3A_19 = arith.constant 0 : index
    %get3A_20 = vector.load %arg2[%get3A_17, %get3A_18, %get3A_19] : memref<2x1000x128xf32, #tpu.memory_space<vmem>>, vector<1x1000x128xf32>
    %get3A_21 = vector.shape_cast %get3A_20 : vector<1x1000x128xf32> to vector<1000x128xf32>
    %add3A_22 = arith.addf %get3A_16, %get3A_21 : vector<1000x128xf32>
    %get3A_23 = arith.constant 0 : index
    %get3A_24 = arith.constant 0 : index
    %get3A_25 = vector.load %arg3[%get3A_23, %get3A_24] : memref<1000x128xf32, #tpu.memory_space<vmem>>, vector<1000x128xf32>
    %add3A_26 = arith.addf %add3A_22, %get3A_25 : vector<1000x128xf32>
    %broadcast_in_dim3A = vector.shape_cast %rsqrt3A : vector<1000xf32> to vector<1000x1xf32>
    %mul3A = vector.broadcast %broadcast_in_dim3A : vector<1000x1xf32> to vector<1000x128xf32>
    %mul3A_27 = arith.mulf %add3A_26, %mul3A : vector<1000x128xf32>
    %get3A_28 = arith.constant 0 : index
    %get3A_29 = arith.constant 0 : index
    %get3A_30 = vector.load %arg4[%get3A_28, %get3A_29] : memref<128x64xf32, #tpu.memory_space<vmem>>, vector<128x64xf32>
    %dot_general3A = arith.constant dense<0.000000e+00> : vector<1000x64xf32>
    %dot_general3A_31 = tpu.matmul %mul3A_27, %get3A_30, %dot_general3A {dimension_numbers = #tpu.dot_dimension_numbers<[1], [0], [0], [1], [0, 0, 1, 1], [], []>, transpose_lhs_hint = false} : vector<1000x128xf32>, vector<128x64xf32>, vector<1000x64xf32> -> vector<1000x64xf32>
    %get3A_32 = arith.constant 0 : index
    %get3A_33 = vector.load %arg5[%get3A_32] : memref<64xf32, #tpu.memory_space<vmem>>, vector<64xf32>
    %broadcast_in_dim3A_34 = vector.shape_cast %get3A_33 : vector<64xf32> to vector<1x64xf32>
    %add3A_35 = vector.broadcast %broadcast_in_dim3A_34 : vector<1x64xf32> to vector<1000x64xf32>
    %add3A_36 = arith.addf %dot_general3A_31, %add3A_35 : vector<1000x64xf32>
    %swap3A = arith.constant 0 : index
    %swap3A_37 = arith.constant 0 : index
    %swap3A_38 = vector.load %arg8[%swap3A, %swap3A_37] : memref<1000x64xf32, #tpu.memory_space<vmem>>, vector<1000x64xf32>
    tpu.vector_store %arg8[%swap3A, %swap3A_37], %add3A_36 {strides = array<i32>} : memref<1000x64xf32, #tpu.memory_space<vmem>>, vector<1000x64xf32>,
    %get3A_39 = arith.constant 0 : index
    %get3A_40 = arith.constant 0 : index
    %get3A_41 = vector.load %arg6[%get3A_39, %get3A_40] : memref<128x64xf32, #tpu.memory_space<vmem>>, vector<128x64xf32>
    %dot_general3A_42 = arith.constant dense<0.000000e+00> : vector<1000x64xf32>
    %dot_general3A_43 = tpu.matmul %mul3A_27, %get3A_41, %dot_general3A_42 {dimension_numbers = #tpu.dot_dimension_numbers<[1], [0], [0], [1], [0, 0, 1, 1], [], []>, transpose_lhs_hint = false} : vector<1000x128xf32>, vector<128x64xf32>, vector<1000x64xf32> -> vector<1000x64xf32>
    %get3A_44 = arith.constant 0 : index
    %get3A_45 = vector.load %arg7[%get3A_44] : memref<64xf32, #tpu.memory_space<vmem>>, vector<64xf32>
    %broadcast_in_dim3A_46 = vector.shape_cast %get3A_45 : vector<64xf32> to vector<1x64xf32>
    %add3A_47 = vector.broadcast %broadcast_in_dim3A_46 : vector<1x64xf32> to vector<1000x64xf32>
    %add3A_48 = arith.addf %dot_general3A_43, %add3A_47 : vector<1000x64xf32>
    %swap3A_49 = arith.constant 0 : index
    %swap3A_50 = arith.constant 0 : index
    %swap3A_51 = vector.load %arg9[%swap3A_49, %swap3A_50] : memref<1000x64xf32, #tpu.memory_space<vmem>>, vector<1000x64xf32>
    tpu.vector_store %arg9[%swap3A_49, %swap3A_50], %add3A_48 {strides = array<i32>} : memref<1000x64xf32, #tpu.memory_space<vmem>>, vector<1000x64xf32>,
    return
  }
  func.func @transform_0(%arg0: i32) -> (i32, i32, i32) {
    %c0_i32 = arith.constant 0 : i32
    %c0_i32_0 = arith.constant 0 : i32
    %c0_i32_1 = arith.constant 0 : i32
    return %c0_i32, %arg0, %c0_i32_0 : i32, i32, i32
  }
  func.func @transform_1(%arg0: i32) -> (i32, i32, i32) {
    %c0_i32 = arith.constant 0 : i32
    %c0_i32_0 = arith.constant 0 : i32
    %c0_i32_1 = arith.constant 0 : i32
    return %c0_i32, %arg0, %c0_i32_0 : i32, i32, i32
  }
  func.func @transform_2(%arg0: i32) -> (i32, i32) {
    %c0_i32 = arith.constant 0 : i32
    %c0_i32_0 = arith.constant 0 : i32
    return %arg0, %c0_i32 : i32, i32
  }
  func.func @transform_3(%arg0: i32) -> (i32, i32) {
    %c0_i32 = arith.constant 0 : i32
    %c0_i32_0 = arith.constant 0 : i32
    %c0_i32_1 = arith.constant 0 : i32
    return %c0_i32, %c0_i32_0 : i32, i32
  }
  func.func @transform_4(%arg0: i32) -> i32 {
    %c0_i32 = arith.constant 0 : i32
    %c0_i32_0 = arith.constant 0 : i32
    return %c0_i32 : i32
  }
  func.func @transform_5(%arg0: i32) -> (i32, i32) {
    %c0_i32 = arith.constant 0 : i32
    %c0_i32_0 = arith.constant 0 : i32
    %c0_i32_1 = arith.constant 0 : i32
    return %c0_i32, %c0_i32_0 : i32, i32
  }
  func.func @transform_6(%arg0: i32) -> i32 {
    %c0_i32 = arith.constant 0 : i32
    %c0_i32_0 = arith.constant 0 : i32
    return %c0_i32 : i32
  }
  func.func @transform_7(%arg0: i32) -> (i32, i32) {
    %c0_i32 = arith.constant 0 : i32
    %c0_i32_0 = arith.constant 0 : i32
    return %arg0, %c0_i32 : i32, i32
  }
  func.func @transform_8(%arg0: i32) -> (i32, i32) {
    %c0_i32 = arith.constant 0 : i32
    %c0_i32_0 = arith.constant 0 : i32
    return %arg0, %c0_i32 : i32, i32
  }
}

</mosaic_0001>

<sc_bundles>
// kernel: kernel.11.cloned.1.call-start
scs
__scs_entry_jumppad:
0x0: {  	(pc) =	sbr.rel $0x88, $3  }
0x1: {  	(tag) =	ssettag $0x0;
	lr =	simm.s32 $0x1  }
0x2: {  	[smem:$0x3F99] =	sst lr;
	_ =	strace $0xD0000000  }
0x3: {  	_ = 	snop  }
0x4: {  	_ = 	snop  }
0x5: {  	_ = 	snop  }
0x6: {  	_ = 	snop  }
0x7: {  	_ = 	snop  }
__scs_overlays_trampoline_lowered:
0x8: {  	[smem:$0x3FA8] =	sst s0  }
0x9: {  	[smem:$0x3FA9] =	sst s1  }
0xa: {  	[smem:$0x3FAA] =	sst s2  }
0xb: {  	[smem:$0x3FAB] =	sst s3  }
0xc: {  	[smem:$0x3FAC] =	sst s4  }
0xd: {  	[smem:$0x3FAD] =	sst s5  }
0xe: {  	[smem:$0x3FAE] =	sst s6  }
0xf: {  	[smem:$0x3FAF] =	sst s7  }
0x10: {  	[smem:$0x3FB0] =	sst s8  }
0x11: {  	[smem:$0x3FB1] =	sst s9;
	s0 =	simm.s32 @!p0 $0x0  }
0x12: {  	s1 =	sld [smem:$0x3F97];
	s0 =	simm.s32 @p0 $0x1  }
0x13: {  	[smem:$0x3FB2] =	sst s0;
	s0 =	simm.s32 @!p1 $0x0  }
0x14: {  	s2 =	sld [smem:$0x3F96];
	s0 =	simm.s32 @p1 $0x1  }
0x15: {  	[smem:$0x3FB3] =	sst s0;
	s0 =	simm.s32 @!p2 $0x0  }
0x16: {  	s3 =	sld [smem:$0x3FDB];
	s0 =	simm.s32 @p2 $0x1  }
0x17: {  	s4 =	simm.s32 $0x1BF5;
	[smem:$0x3FB5] =	sst s0  }
0x18: {  	s0 =	sld [smem:$0x3F98];
	_ =	swait.ge [sflag:s4], $0x0  }
0x19: {  	s7 =	sld [smem:$0x3F99]  }
0x1a: {  	s8 =	sadd.s32 $0xFFFFE003, lr  }
0x1b: {  	s9 =	sadd.s32 $0xFFFFFEF7, lr;
	s5 =	simm.s32 $0xFFFFFFFF;
	p2 =	slt.u32 s8, $0xFFFFF086  }
0x1c: {  	p1 =	slt.u32 s9, $0xF7A;
	s5 =	simm.s32 @!p2 $0x0  }
0x1d: {  	s5 =	simm.s32 @p1 $0x1;
	p0 =	seq.s32 s7, s2  }
0x1e: {  	s7 =	smul.u32 @!p0 $0xF7A, s2;
	p2 =	seq.s32 @!p0 s5, $0x0  }
0x1f: {  	s9 =	smul.u32 $0xF7A, s1;
	s8 =	simm.s32 @!p0 $0x1BF5;
	p2 =	por !p2, p0  }
0x20: {  	[sflag:s8] =	ssyncset.s32 @!p0 $0xFFFFF086;
	s6 =	sadd.s32 @!p0 s3, s7;
	s7 =	simm.s32 @!p0 $0x108  }
0x21: {  	s3 =	sadd.s32 s3, s9;
	s6 =	sadd.s32 @!p0 $0x88, s6;
	s7 =	simm.s32 @p2 $0x1082  }
0x22: {  	[simem:s7], [sflag:s8] =	dma.local @!p0 [hbm:s6], $0xF7A  }
0x23: {  	s9 =	sor.u32 $0xD0000000, s2;
	s6 =	simm.s32 $0x108;
	_ =	swait.ge @!p0 [sflag:s8], $0x0  }
0x24: {  	s3 =	sadd.s32 $0x88, s3;
	s6 =	simm.s32 @!p1 $0x1082;
	[sflag:s4] =	ssyncset.s32 $0xFFFFF086  }
0x25: {  	[simem:s6], [sflag:s4] =	dma.local [hbm:s3], $0xF7A  }
0x26: {  	[smem:$0x3F99] =	sst s1;
	(tag) =	ssettag s2;
	_ =	strace s9  }
0x27: {  	s1 =	sld [smem:$0x3FA9]  }
0x28: {  	s2 =	sld [smem:$0x3FAA]  }
0x29: {  	s4 =	sld [smem:$0x3FAC]  }
0x2a: {  	p0 =	seq.s32 s5, $0x0;
	s5 =	sld [smem:$0x3FAD]  }
0x2b: {  	s6 =	sld [smem:$0x3FAE]  }
0x2c: {  	s7 =	sld [smem:$0x3FAF]  }
0x2d: {  	s3 =	simm.s32 $0x108;
	s8 =	sld [smem:$0x3FB0]  }
0x2e: {  	s3 =	simm.s32 @!p0 $0x1082;
	s9 =	sld [smem:$0x3FB1]  }
0x2f: {  	lr =	sadd.s32 s0, s3;
	s0 =	sld [smem:$0x3FA8]  }
0x30: {  	s3 =	sld [smem:$0x3FAB]  }
0x31: {  	[smem:$0x3FB4] =	sst s10  }
0x32: {  	s10 =	sld [smem:$0x3FB2];
	_ =	sdelay $0x3  }
0x33: {  	p0 =	seq.s32 s10, $0x1;
	s10 =	sld [smem:$0x3FB4];
	_ =	sdelay $0x3  }
0x34: {  	[smem:$0x3FB4] =	sst s10  }
0x35: {  	s10 =	sld [smem:$0x3FB3];
	_ =	sdelay $0x3  }
0x36: {  	p1 =	seq.s32 s10, $0x1;
	s10 =	sld [smem:$0x3FB4];
	_ =	sdelay $0x3  }
0x37: {  	[smem:$0x3FB4] =	sst s10  }
0x38: {  	s10 =	sld [smem:$0x3FB5]  }
0x39: {  	_ = 	snop;
	(pc) =	sbr.ind lr, $3  }
0x3a: {  	_ = 	snop  }
0x3b: {  	_ = 	snop  }
0x3c: {  	p2 =	seq.s32 s10, $0x1;
	s10 =	sld [smem:$0x3FB4]  }
0x3d: {  	_ =	shalt  }
0x3e: {  	_ =	shalt  }
0x3f: {  	_ =	shalt  }
0x40: {  	_ =	shalt  }
0x41: {  	_ =	shalt  }
0x42: {  	_ =	shalt  }
0x43: {  	_ =	shalt  }
0x44: {  	_ =	shalt  }
0x45: {  	_ =	shalt  }
0x46: {  	_ =	shalt  }
0x47: {  	_ =	shalt  }
0x48: {  	_ =	shalt  }
0x49: {  	_ =	shalt  }
0x4a: {  	_ =	shalt  }
0x4b: {  	_ =	shalt  }
0x4c: {  	_ =	shalt  }
0x4d: {  	_ =	shalt  }
0x4e: {  	_ =	shalt  }
0x4f: {  	_ =	shalt  }
0x50: {  	_ =	shalt  }
0x51: {  	_ =	shalt  }
0x52: {  	_ =	shalt  }
0x53: {  	_ =	shalt  }
0x54: {  	_ =	shalt  }
0x55: {  	_ =	shalt  }
0x56: {  	_ =	shalt  }
0x57: {  	_ =	shalt  }
0x58: {  	_ =	shalt  }
0x59: {  	_ =	shalt  }
0x5a: {  	_ =	shalt  }
0x5b: {  	_ =	shalt  }
0x5c: {  	_ =	shalt  }
0x5d: {  	_ =	shalt  }
0x5e: {  	_ =	shalt  }
0x5f: {  	_ =	shalt  }
0x60: {  	_ =	shalt  }
0x61: {  	_ =	shalt  }
0x62: {  	_ =	shalt  }
0x63: {  	_ =	shalt  }
0x64: {  	_ =	shalt  }
0x65: {  	_ =	shalt  }
0x66: {  	_ =	shalt  }
0x67: {  	_ =	shalt  }
0x68: {  	_ =	shalt  }
0x69: {  	_ =	shalt  }
0x6a: {  	_ =	shalt  }
0x6b: {  	_ =	shalt  }
0x6c: {  	_ =	shalt  }
0x6d: {  	_ =	shalt  }
0x6e: {  	_ =	shalt  }
0x6f: {  	_ =	shalt  }
0x70: {  	_ =	shalt  }
0x71: {  	_ =	shalt  }
0x72: {  	_ =	shalt  }
0x73: {  	_ =	shalt  }
0x74: {  	_ =	shalt  }
0x75: {  	_ =	shalt  }
0x76: {  	_ =	shalt  }
0x77: {  	_ =	shalt  }
0x78: {  	_ =	shalt  }
0x79: {  	_ =	shalt  }
0x7a: {  	_ =	shalt  }
0x7b: {  	_ =	shalt  }
0x7c: {  	_ =	shalt  }
0x7d: {  	_ =	shalt  }
0x7e: {  	_ =	shalt  }
0x7f: {  	_ =	shalt  }
0x80: {  	_ =	shalt  }
0x81: {  	_ =	shalt  }
0x82: {  	_ =	shalt  }
0x83: {  	_ =	shalt  }
0x84: {  	_ =	shalt  }
0x85: {  	_ =	shalt  }
0x86: {  	_ =	shalt  }
0x87: {  	_ =	shalt  }
.Lfunc_end0:
.L_simem_size_0:
called_computation.1_lowered:
.L_overlay_start_0:
0x88: {  	s2 =	sld [smem:$0x3FD9]  }
0x89: {  	s3 =	sld [smem:$0x3FFE];
	_ =	sdelay $0x1  }
0x8a: {  	s1 =	srdreg.scid  }
0x8b: {  	s0 =	sand.u32 $0x1, s1  }
0x8c: {  	s14 =	sshll.u32 s0, $0xA;
	s2 =	sadd.s32 s3, s2  }
0x8d: {  	s2 =	sadd.s32 s2, s14  }
0x8e: {  	[smem:$0x3FC0] =	sst s2  }
0x8f: {  	_ = 	snop  }
0x90: {  	s2 =	sld [smem:$0x3FD0];
	_ =	sdelay $0x2  }
0x91: {  	s15 =	simm.s32 $0xA;
	s4 =	simm.s32 $0x10  }
0x92: {  	[smem:s4], [sflag:s15] =	dma.local [hbm:s2], $0x1  }
0x93: {  	_ =	swait.eq [sflag:s15], $0x1  }
0x94: {  	[sflag:s15] =	ssyncset.done $0x0  }
0x95: {  	s16 =	sld [smem:$0x10];
	[sflag:s15] =	ssyncadd.s32 $0xFFFFFFFF  }
0x96: {  	s17 =	sld [smem:$0x11];
	(tm) =	ssettm $0x1  }
0x97: {  	s18 =	sld [smem:$0x3FFB];
	_ =	sdelay $0x3  }
0x98: {  	_ =	strace s18  }
0x99: {  	s4 =	sld [smem:$0x3FFC];
	_ =	sdelay $0x3  }
0x9a: {  	_ =	strace s4  }
0x9b: {  	s4 =	sld [smem:$0x3FFD];
	_ =	sdelay $0x3  }
0x9c: {  	_ =	strace s4  }
0x9d: {  	_ =	strace $0x8FFFFFFF  }
0x9e: {  	s19 =	sld [smem:$0x3FDB];
	_ =	sdelay $0x1  }
0x9f: {  	s5 =	simm.s32 $_scs_section_size  }
0xa0: {  	s6 =	simm.s32 $_size__tile_overlayer_lowered;
	s7 =	simm.s32 $_tile_overlayer_lowered  }
0xa1: {  	s22 =	simm.s32 $0x1BFF;
	s21 =	sshll.u32 s7, $0x1;
	s4 =	sadd.s32 s5, s19  }
0xa2: {  	s8 =	simm.s32 $0x0;
	s20 =	sshll.u32 s6, $0x1;
	s6 =	sadd.s32 s21, s4  }
0xa3: {  	[timem:s8], [sflag:s22] =	dma.local [hbm:s6], s20  }
0xa4: {  	_ =	swait.ge [sflag:s22], s20  }
0xa5: {  	s5 =	ssub.s32 $0x0, s20;
	[sflag:s22] =	ssyncset.done $0x0  }
0xa6: {  	[sflag:s22] =	ssyncadd.s32 s5;
	_ =	sdelay $0x1  }
0xa7: {  	s23 =	simm.s32 $0x1B8B  }
0xa8: {  	_ =	swait.ge [sflag:s23], $0x1  }
0xa9: {  	[sflag:s23] =	ssyncset.done $0x0  }
0xaa: {  	s25 =	simm.s32 $0x1B8E;
	s24 =	sld [smem:$0x3FFE];
	[sflag:s23] =	ssyncadd.s32 $0xFFFFFFFF  }
0xab: {  	s26 =	simm.s32 $execute0_lowered;
	[smem:$0x3FD2] =	sst s25  }
0xac: {  	s6 =	sshll.u32 s26, $0x1;
	_ =	strace $0x80000049;
	[dreg:$0x1] =	wrdreg $0xFFFFFFFF  }
0xad: {  	s28 =	simm.s32 $_size_execute0_lowered;
	s4 =	sadd.s32 s4, s6;
	[dreg:$0x0] =	wrdreg $0x0  }
0xae: {  	s6 =	sshll.u32 s28, $0x1;
	[dreg:$0x2] =	wrdreg s4  }
0xaf: {  	[dreg:$0x3] =	wrdreg s6  }
0xb0: {  	[dreg:$0x4] =	wrdreg $0xC0  }
0xb1: {  	_ =	task [dreg:s8], $0x5FFFF  }
0xb2: {  	[dreg:$0x1] =	wrdreg $0xFFFFFFFF  }
0xb3: {  	[dreg:$0x0] =	wrdreg $0x60  }
0xb4: {  	[dreg:$0x2] =	wrdreg s24  }
0xb5: {  	[dreg:$0x3] =	wrdreg s17  }
0xb6: {  	[dreg:$0x4] =	wrdreg s16  }
0xb7: {  	[dreg:$0x5] =	wrdreg $0x69000  }
0xb8: {  	[dreg:$0x6] =	wrdreg $0x9  }
0xb9: {  	_ =	task.clear_ibuf [dreg:s8], $0x7FFFF;
	_ =	strace $0x90000049  }
0xba: {  	s29 =	simm.s32 $0x9;
	_ =	strace $0x8000004B  }
0xbb: {  	_ =	swait.ge [sflag:s29], $0x1  }
0xbc: {  	[sflag:s29] =	ssyncadd.s32 $0xFFFFFFFF  }
0xbd: {  	_ =	strace $0x9000004B  }
0xbe: {  	_ =	sfence  }
0xbf: {  	s30 =	sld [smem:$0x0];
	_ =	sdelay $0x2  }
0xc0: {  	s31 =	sshll.u32 s1, $0xD;
	s1 =	sshrl.u32 s1, $0x2  }
0xc1: {  	s3 =	sand.u32 $0x4000, s31;
	s1 =	sadd.s32 s1, s30  }
0xc2: {  	s0 =	sor.u32 s3, s0;
	s1 =	sshll.u32 s1, $0x11  }
0xc3: {  	s0 =	sor.u32 s1, s0  }
0xc4: {  	s0 =	sadd.s32 $0x8F2B, s0  }
0xc5: {  	[sflag:s0] =	ssyncadd.remote.s32 $0x1  }
0xc6: {  	_ =	sfence.sel $0xFFFF  }
0xc7: {  	[dreg:$0x0] =	wrdreg $0xFFFFFFFF;
	(pc) =	sbr.abs _section_cstart, $3  }
0xc8: {  	[dreg:$0x1] =	wrdreg $0xFFFFFFFF  }
0xc9: {  	_ =	task.clear_ibuf [dreg:s8], $0x2FFFF;
	_ =	strace $0x9FFFFFFF  }
0xca: {  	(tm) =	ssettm $0x7FFFFFFF  }
0xcb: {  	_ =	shalt  }
tec
execute0_lowered:
.L_overlay_start_1:
0x0: {  	(tag) =	ssettag $0x1  }
0x1: {  	s5 =	rddreg [dreg:$0x0]  }
0x2: {  	s17 =	rddreg [dreg:$0x1]  }
0x3: {  	s16 =	rddreg [dreg:$0x2]  }
0x4: {  	s1 =	rddreg [dreg:$0x3];
	s2 =	stileid.u32  }
0x5: {  	s0 =	rddreg [dreg:$0x4];
	s7 =	smul.u32 $0x50000, s2  }
0x6: {  	s3 =	simm.s32 $0x0;
	s4 =	srdreg.scid;
	s9 =	smul.u32 $0x14000, s2  }
0x7: {  	[smem:$0x7FF] =	sst s3;
	s12 =	sand.u32 $0x1, s4;
	s25 =	smul.u32 $0x4E20, s2  }
0x8: {  	s4 =	sadd.s32 $0x52A00, s5;
	s14 =	sadd.s32 $0x79C00, s5;
	s13 =	smul.u32 $0x140000, s12  }
0x9: {  	_ =	strace $0x8000004A;
	s6 =	ssub.s32 $0x2, s12;
	s22 =	smul.u32 $0x2710, s12  }
0xa: {  	s8 =	sshrl.u32 s6, $0x1;
	s23 =	sshrl.u32 s7, $0x2;
	s10 =	sadd.s32 $0x4000, s9  }
0xb: {  	s18 =	sadd.s32 $0x8000, s9;
	s19 =	sadd.s32 $0xC000, s9;
	s20 =	sadd.s32 $0x10000, s9  }
0xc: {  	s15 =	ssub.s32 s6, s8;
	s5 =	sadd.s32 s23, s1;
	s6 =	sadd.s32 s10, s1  }
0xd: {  	s7 =	sadd.s32 s18, s1;
	s8 =	sadd.s32 s19, s1;
	s11 =	sadd.s32 s9, s13  }
0xe: {  	s21 =	sadd.s32 s13, s10;
	s9 =	sadd.s32 s20, s1;
	s18 =	sadd.s32 s13, s18  }
0xf: {  	s19 =	sadd.s32 s13, s19;
	s28 =	sadd.s32 s13, s20;
	s30 =	sadd.s32 s22, s25  }
0x10: {  	s20 =	simm.s32 $0x80;
	s22 =	simm.s32 $0x100;
	s23 =	simm.s32 $0x1  }
0x11: {  	s11 =	sshrl.u32 s11, $0x3;
	s24 =	sshrl.u32 s21, $0x3;
	s18 =	sshrl.u32 s18, $0x3  }
0x12: {  	s26 =	sshrl.u32 s19, $0x3;
	s29 =	sshrl.u32 s28, $0x3;
	s15 =	smax.u32 s15, $0x1  }
0x13: {  	s31 =	sshrl.u32 s30, $0x3;
	s19 =	simm.s32 $0x2;
	s21 =	simm.s32 $0x50  }
0x14: {  	s10 =	sadd.s32 s14, s11;
	s11 =	sadd.s32 s14, s24;
	s12 =	sadd.s32 s14, s18  }
0x15: {  	s13 =	sadd.s32 s14, s26;
	s14 =	sadd.s32 s14, s29;
	s16 =	sadd.s32 s31, s16  }
0x16: {  	v0 =	vimm.f32 $0.0e+00;
	s17 =	sadd.s32 s31, s17;
	s18 =	simm.s32 $0x2900;
	s24 =	simm.s32 $0x0  }
.LBB2_1:
0x17: {  	s25 =	simm.s32 $0x0;
	s26 =	simm.s32 $0x200  }
.LBB2_2:
0x18: {  	p0 =	sne.s32 s26, $0xFE00;
	[tilespmem:s25+$0x2970] =	vst v0  }
0x19: {  	[tilespmem:s25+$0x2900] =	vst v0  }
0x1a: {  	[tilespmem:s25+$0x2910] =	vst v0  }
.Ltmp0:
0x1b: {  	[tilespmem:s25+$0x2920] =	vst v0;
	(pc) =	sbr.rel @p0 .LBB2_2-.Ltmp0, $4  }
0x1c: {  	[tilespmem:s25+$0x2930] =	vst v0  }
0x1d: {  	[tilespmem:s25+$0x2940] =	vst v0  }
0x1e: {  	[tilespmem:s25+$0x2950] =	vst v0  }
0x1f: {  	[tilespmem:s25+$0x2960] =	vst v0;
	s25 =	sshra.s32 s26, $0x2;
	s26 =	sadd.s32 $0x200, s26  }
0x20: {  	[tilespmem:s25+$0x2970] =	vst v0  }
0x21: {  	[tilespmem:s25+$0x2900] =	vst v0  }
0x22: {  	[tilespmem:s25+$0x2910] =	vst v0  }
0x23: {  	[tilespmem:s25+$0x2920] =	vst v0  }
0x24: {  	[tilespmem:s25+$0x2930] =	vst v0  }
0x25: {  	[tilespmem:s25+$0x2940] =	vst v0  }
0x26: {  	[tilespmem:s25+$0x2950] =	vst v0  }
0x27: {  	[tilespmem:s25+$0x2960] =	vst v0  }
0x28: {  	[spmem:s5] =	stream.linear.scatter [tilespmem:s18], [sflag:$0x2], $0x4000, $0x38;
	[tilespmem:$0x1A900] =	vst v63  }
0x29: {  	_ =	swait.ge [sflag:s19], $0x4000  }
0x2a: {  	[sflag:s19] =	ssyncset.done $0x0  }
0x2b: {  	[sflag:s19] =	ssyncadd.s32 $0xFFFFC000  }
0x2c: {  	[spmem:s6] =	stream.linear.scatter [tilespmem:s18], [sflag:$0x2], $0x4000, $0x38;
	[tilespmem:$0x1A900] =	vst v63  }
0x2d: {  	_ =	swait.ge [sflag:s19], $0x4000  }
0x2e: {  	[sflag:s19] =	ssyncset.done $0x0  }
0x2f: {  	[sflag:s19] =	ssyncadd.s32 $0xFFFFC000  }
0x30: {  	[spmem:s7] =	stream.linear.scatter [tilespmem:s18], [sflag:$0x2], $0x4000, $0x38;
	[tilespmem:$0x1A900] =	vst v63  }
0x31: {  	_ =	swait.ge [sflag:s19], $0x4000  }
0x32: {  	[sflag:s19] =	ssyncset.done $0x0  }
0x33: {  	[sflag:s19] =	ssyncadd.s32 $0xFFFFC000  }
0x34: {  	[spmem:s8] =	stream.linear.scatter [tilespmem:s18], [sflag:$0x2], $0x4000, $0x38;
	[tilespmem:$0x1A900] =	vst v63  }
0x35: {  	_ =	swait.ge [sflag:s19], $0x4000  }
0x36: {  	[sflag:s19] =	ssyncset.done $0x0  }
0x37: {  	[sflag:s19] =	ssyncadd.s32 $0xFFFFC000  }
0x38: {  	[spmem:s9] =	stream.linear.scatter [tilespmem:s18], [sflag:$0x2], $0x4000, $0x38;
	[tilespmem:$0x1A900] =	vst v63  }
0x39: {  	_ =	swait.ge [sflag:s19], $0x4000  }
0x3a: {  	[sflag:s19] =	ssyncset.done $0x0  }
0x3b: {  	[sflag:s19] =	ssyncadd.s32 $0xFFFFC000  }
0x3c: {  	s30 =	sadd.s32 $0x0, s17;
	[bflag:$0x0] =	sbarrier.arrive $0xFFFF  }
0x3d: {  	[tilespmem:s3], [sflag:$0x2] =	stream.linear.gather [hbm4b:s30+s3], $0x50, $0x38;
	[tilespmem:$0x1A900] =	vst v63  }
0x3e: {  	_ =	swait.ge [sflag:s19], $0x50  }
0x3f: {  	[sflag:s19] =	ssyncset.done $0x0  }
0x40: {  	s31 =	sadd.s32 $0x0, s16;
	[sflag:s19] =	ssyncadd.s32 $0xFFFFFFB0  }
0x41: {  	[tilespmem:s20], [sflag:$0x2] =	stream.linear.gather [hbm4b:s31+s3], $0x50, $0x38;
	[tilespmem:$0x1A900] =	vst v63  }
0x42: {  	_ =	swait.ge [sflag:s19], $0x50  }
0x43: {  	[sflag:s19] =	ssyncset.done $0x0  }
0x44: {  	[sflag:s19] =	ssyncadd.s32 $0xFFFFFFB0  }
0x45: {  	[tilespmem:s22], [sflag:$0x1] =	stream.indirect.gather [hbm4b:s4+s21], $0x80, s3, s21, $0xb8;
	[tilespmem:$0x1A900] =	vst v63  }
0x46: {  	_ =	swait.ge [sflag:s23], $0x2800  }
0x47: {  	[sflag:s23] =	ssyncset.done $0x0  }
0x48: {  	[sflag:s23] =	ssyncadd.s32 $0xFFFFD800  }
0x49: {  	[spmem:s1] =	stream.indirect.scatter.add.f32 [tilespmem:s22], [sflag:$0x2], $0x80, s20, s21, $0xb8;
	[tilespmem:$0x1A900] =	vst v63  }
0x4a: {  	_ =	swait.ge [sflag:s19], $0x2800  }
0x4b: {  	s25 =	simm.s32 $0xA;
	s26 =	simm.s32 $0x14;
	[sflag:s19] =	ssyncset.done $0x0  }
.LBB2_4:
0x4c: {  	s28 =	sadd.s32 s25, s17  }
0x4d: {  	[sflag:s19] =	ssyncadd.s32 $0xFFFFD800;
	s29 =	smov.u32 s26;
	s30 =	sadd.s32 $0xA, s26  }
0x4e: {  	[tilespmem:s3], [sflag:$0x2] =	stream.linear.gather [hbm4b:s28+s3], $0x50, $0x38;
	[tilespmem:$0x1A900] =	vst v63  }
0x4f: {  	p0 =	sne.s32 s26, $0x4D8;
	_ =	swait.ge [sflag:s19], $0x50  }
0x50: {  	[sflag:s19] =	ssyncset.done $0x0  }
0x51: {  	s26 =	sadd.s32 s25, s16;
	s25 =	smov.u32 s29;
	[sflag:s19] =	ssyncadd.s32 $0xFFFFFFB0  }
0x52: {  	[tilespmem:s20], [sflag:$0x2] =	stream.linear.gather [hbm4b:s26+s3], $0x50, $0x38;
	[tilespmem:$0x1A900] =	vst v63  }
0x53: {  	_ =	swait.ge [sflag:s19], $0x50  }
0x54: {  	[sflag:s19] =	ssyncset.done $0x0  }
0x55: {  	[sflag:s19] =	ssyncadd.s32 $0xFFFFFFB0  }
0x56: {  	[tilespmem:s22], [sflag:$0x1] =	stream.indirect.gather [hbm4b:s4+s21], $0x80, s3, s21, $0xb8;
	[tilespmem:$0x1A900] =	vst v63  }
0x57: {  	_ =	swait.ge [sflag:s23], $0x2800  }
.Ltmp1:
0x58: {  	[sflag:s23] =	ssyncset.done $0x0;
	(pc) =	sbr.rel @p0 .LBB2_4-.Ltmp1, $4  }
0x59: {  	[sflag:s23] =	ssyncadd.s32 $0xFFFFD800  }
0x5a: {  	[spmem:s1] =	stream.indirect.scatter.add.f32 [tilespmem:s22], [sflag:$0x2], $0x80, s20, s21, $0xb8;
	[tilespmem:$0x1A900] =	vst v63  }
0x5b: {  	_ =	swait.ge [sflag:s19], $0x2800  }
0x5c: {  	s26 =	smov.u32 s30;
	[sflag:s19] =	ssyncset.done $0x0  }
0x5d: {  	s26 =	sadd.s32 s25, s17;
	[sflag:s19] =	ssyncadd.s32 $0xFFFFD800  }
0x5e: {  	[tilespmem:s3], [sflag:$0x2] =	stream.linear.gather [hbm4b:s26+s3], $0x50, $0x38;
	[tilespmem:$0x1A900] =	vst v63  }
0x5f: {  	_ =	swait.ge [sflag:s19], $0x50  }
0x60: {  	[sflag:s19] =	ssyncset.done $0x0  }
0x61: {  	s29 =	sadd.s32 s25, s16;
	[sflag:s19] =	ssyncadd.s32 $0xFFFFFFB0  }
0x62: {  	[tilespmem:s20], [sflag:$0x2] =	stream.linear.gather [hbm4b:s29+s3], $0x50, $0x38;
	[tilespmem:$0x1A900] =	vst v63  }
0x63: {  	_ =	swait.ge [sflag:s19], $0x50  }
0x64: {  	[sflag:s19] =	ssyncset.done $0x0  }
0x65: {  	[sflag:s19] =	ssyncadd.s32 $0xFFFFFFB0  }
0x66: {  	[tilespmem:s22], [sflag:$0x1] =	stream.indirect.gather [hbm4b:s4+s21], $0x80, s3, s21, $0xb8;
	[tilespmem:$0x1A900] =	vst v63  }
0x67: {  	_ =	swait.ge [sflag:s23], $0x2800  }
0x68: {  	[sflag:s23] =	ssyncset.done $0x0  }
0x69: {  	[sflag:s23] =	ssyncadd.s32 $0xFFFFD800  }
0x6a: {  	[spmem:s1] =	stream.indirect.scatter.add.f32 [tilespmem:s22], [sflag:$0x2], $0x80, s20, s21, $0xb8;
	[tilespmem:$0x1A900] =	vst v63  }
0x6b: {  	_ =	swait.ge [sflag:s19], $0x2800  }
0x6c: {  	[sflag:s19] =	ssyncset.done $0x0  }
0x6d: {  	s30 =	sshll.u32 s2, $0x6;
	[sflag:s19] =	ssyncadd.s32 $0xFFFFD800  }
0x6e: {  	s31 =	sshrl.u32 s5, $0x3;
	s25 =	sor.u32 $0x1C02, s30;
	[bflag:$0x0] =	sbarrier.arrive $0xFFFF  }
0x6f: {  	[hbm:s10], [sflag:s25] =	dma.local [spmem:s31], $0x800  }
0x70: {  	_ =	swait.ge [sflag:s19], $0x800  }
0x71: {  	[sflag:s19] =	ssyncset.done $0x0  }
0x72: {  	s28 =	sshrl.u32 s6, $0x3;
	[sflag:s19] =	ssyncadd.s32 $0xFFFFF800  }
0x73: {  	[hbm:s11], [sflag:s25] =	dma.local [spmem:s28], $0x800  }
0x74: {  	_ =	swait.ge [sflag:s19], $0x800  }
0x75: {  	[sflag:s19] =	ssyncset.done $0x0  }
0x76: {  	s29 =	sshrl.u32 s7, $0x3;
	[sflag:s19] =	ssyncadd.s32 $0xFFFFF800  }
0x77: {  	[hbm:s12], [sflag:s25] =	dma.local [spmem:s29], $0x800  }
0x78: {  	_ =	swait.ge [sflag:s19], $0x800  }
0x79: {  	[sflag:s19] =	ssyncset.done $0x0  }
0x7a: {  	s30 =	sshrl.u32 s8, $0x3;
	[sflag:s19] =	ssyncadd.s32 $0xFFFFF800  }
0x7b: {  	[hbm:s13], [sflag:s25] =	dma.local [spmem:s30], $0x800  }
0x7c: {  	s24 =	sadd.s32 $0x1, s24;
	_ =	swait.ge [sflag:s19], $0x800  }
0x7d: {  	p0 =	sne.s32 s24, s15;
	[sflag:s19] =	ssyncset.done $0x0  }
.Ltmp2:
0x7e: {  	s31 =	sshrl.u32 s9, $0x3;
	[sflag:s19] =	ssyncadd.s32 $0xFFFFF800;
	(pc) =	sbr.rel @p0 .LBB2_1-.Ltmp2, $4  }
0x7f: {  	[hbm:s14], [sflag:s25] =	dma.local [spmem:s31], $0x800  }
0x80: {  	_ =	swait.ge [sflag:s19], $0x800  }
0x81: {  	[sflag:s19] =	ssyncset.done $0x0  }
0x82: {  	[sflag:s19] =	ssyncadd.s32 $0xFFFFF800  }
0x83: {  	_ =	sfence.sel $0x180000  }
0x84: {  	[bflag:$0x0] =	sbarrier.arrive $0xFFFF  }
0x85: {  	p0 =	sne.s32 s2, $0x0;
	_ =	strace $0x9000004A  }
0x86: {  	s0 =	sadd.s32 @!p0 $0x100000, s0;
	[bflag:$0x2] =	sbarrier.arrive $0xFFFF  }
0x87: {  	[sflag:s0] =	ssyncadd.tile.s32 @!p0 $0x1;
	_ =	shalt  }
.Lfunc_end2:
_tile_overlayer_lowered:
.L_overlay_start_2:
0x88: {  	(tag) =	ssettag $0x2  }
0x89: {  	s0 =	rddreg [dreg:$0x0];
	s2 =	stileid.u32  }
0x8a: {  	s1 =	rddreg [dreg:$0x1];
	p0 =	sne.s32 s2, $0x0  }
0x8b: {  	s3 =	rddreg [dreg:$0x2];
	[bflag:$0x3] =	sbarrier.arrive $0xFFFF;
	s2 =	simm.s32 @!p0 $0x1C02  }
0x8c: {  	[timem:s3], [sflag:s2] =	dma.local @!p0 [hbm:s0], s1  }
0x8d: {  	s0 =	simm.s32 @!p0 $0x2  }
0x8e: {  	_ =	swait.ge @!p0 [sflag:s0], s1  }
0x8f: {  	s1 =	ssub.s32 @!p0 $0x0, s1;
	[sflag:s0] =	ssyncset.done @!p0 $0x0  }
0x90: {  	[sflag:s0] =	ssyncadd.s32 @!p0 s1  }
0x91: {  	[bflag:$0x3] =	sbarrier.arrive $0xFFFF  }
0x92: {  	_ =	shalt  }

// kernel: kernel.14.cloned.1.call-start
scs
__scs_entry_jumppad:
0x0: {  	(pc) =	sbr.rel $0x88, $3  }
0x1: {  	(tag) =	ssettag $0x0;
	lr =	simm.s32 $0x1  }
0x2: {  	[smem:$0x3F99] =	sst lr;
	_ =	strace $0xD0000000  }
0x3: {  	_ = 	snop  }
0x4: {  	_ = 	snop  }
0x5: {  	_ = 	snop  }
0x6: {  	_ = 	snop  }
0x7: {  	_ = 	snop  }
__scs_overlays_trampoline_lowered:
0x8: {  	[smem:$0x3FA8] =	sst s0  }
0x9: {  	[smem:$0x3FA9] =	sst s1  }
0xa: {  	[smem:$0x3FAA] =	sst s2  }
0xb: {  	[smem:$0x3FAB] =	sst s3  }
0xc: {  	[smem:$0x3FAC] =	sst s4  }
0xd: {  	[smem:$0x3FAD] =	sst s5  }
0xe: {  	[smem:$0x3FAE] =	sst s6  }
0xf: {  	[smem:$0x3FAF] =	sst s7  }
0x10: {  	[smem:$0x3FB0] =	sst s8  }
0x11: {  	[smem:$0x3FB1] =	sst s9;
	s0 =	simm.s32 @!p0 $0x0  }
0x12: {  	s1 =	sld [smem:$0x3F97];
	s0 =	simm.s32 @p0 $0x1  }
0x13: {  	[smem:$0x3FB2] =	sst s0;
	s0 =	simm.s32 @!p1 $0x0  }
0x14: {  	s2 =	sld [smem:$0x3F96];
	s0 =	simm.s32 @p1 $0x1  }
0x15: {  	[smem:$0x3FB3] =	sst s0;
	s0 =	simm.s32 @!p2 $0x0  }
0x16: {  	s3 =	sld [smem:$0x3FDB];
	s0 =	simm.s32 @p2 $0x1  }
0x17: {  	s4 =	simm.s32 $0x1BF5;
	[smem:$0x3FB5] =	sst s0  }
0x18: {  	s0 =	sld [smem:$0x3F98];
	_ =	swait.ge [sflag:s4], $0x0  }
0x19: {  	s7 =	sld [smem:$0x3F99]  }
0x1a: {  	s8 =	sadd.s32 $0xFFFFE003, lr  }
0x1b: {  	s9 =	sadd.s32 $0xFFFFFEF7, lr;
	s5 =	simm.s32 $0xFFFFFFFF;
	p2 =	slt.u32 s8, $0xFFFFF086  }
0x1c: {  	p1 =	slt.u32 s9, $0xF7A;
	s5 =	simm.s32 @!p2 $0x0  }
0x1d: {  	s5 =	simm.s32 @p1 $0x1;
	p0 =	seq.s32 s7, s2  }
0x1e: {  	s7 =	smul.u32 @!p0 $0xF7A, s2;
	p2 =	seq.s32 @!p0 s5, $0x0  }
0x1f: {  	s9 =	smul.u32 $0xF7A, s1;
	s8 =	simm.s32 @!p0 $0x1BF5;
	p2 =	por !p2, p0  }
0x20: {  	[sflag:s8] =	ssyncset.s32 @!p0 $0xFFFFF086;
	s6 =	sadd.s32 @!p0 s3, s7;
	s7 =	simm.s32 @!p0 $0x108  }
0x21: {  	s3 =	sadd.s32 s3, s9;
	s6 =	sadd.s32 @!p0 $0x88, s6;
	s7 =	simm.s32 @p2 $0x1082  }
0x22: {  	[simem:s7], [sflag:s8] =	dma.local @!p0 [hbm:s6], $0xF7A  }
0x23: {  	s9 =	sor.u32 $0xD0000000, s2;
	s6 =	simm.s32 $0x108;
	_ =	swait.ge @!p0 [sflag:s8], $0x0  }
0x24: {  	s3 =	sadd.s32 $0x88, s3;
	s6 =	simm.s32 @!p1 $0x1082;
	[sflag:s4] =	ssyncset.s32 $0xFFFFF086  }
0x25: {  	[simem:s6], [sflag:s4] =	dma.local [hbm:s3], $0xF7A  }
0x26: {  	[smem:$0x3F99] =	sst s1;
	(tag) =	ssettag s2;
	_ =	strace s9  }
0x27: {  	s1 =	sld [smem:$0x3FA9]  }
0x28: {  	s2 =	sld [smem:$0x3FAA]  }
0x29: {  	s4 =	sld [smem:$0x3FAC]  }
0x2a: {  	p0 =	seq.s32 s5, $0x0;
	s5 =	sld [smem:$0x3FAD]  }
0x2b: {  	s6 =	sld [smem:$0x3FAE]  }
0x2c: {  	s7 =	sld [smem:$0x3FAF]  }
0x2d: {  	s3 =	simm.s32 $0x108;
	s8 =	sld [smem:$0x3FB0]  }
0x2e: {  	s3 =	simm.s32 @!p0 $0x1082;
	s9 =	sld [smem:$0x3FB1]  }
0x2f: {  	lr =	sadd.s32 s0, s3;
	s0 =	sld [smem:$0x3FA8]  }
0x30: {  	s3 =	sld [smem:$0x3FAB]  }
0x31: {  	[smem:$0x3FB4] =	sst s10  }
0x32: {  	s10 =	sld [smem:$0x3FB2];
	_ =	sdelay $0x3  }
0x33: {  	p0 =	seq.s32 s10, $0x1;
	s10 =	sld [smem:$0x3FB4];
	_ =	sdelay $0x3  }
0x34: {  	[smem:$0x3FB4] =	sst s10  }
0x35: {  	s10 =	sld [smem:$0x3FB3];
	_ =	sdelay $0x3  }
0x36: {  	p1 =	seq.s32 s10, $0x1;
	s10 =	sld [smem:$0x3FB4];
	_ =	sdelay $0x3  }
0x37: {  	[smem:$0x3FB4] =	sst s10  }
0x38: {  	s10 =	sld [smem:$0x3FB5]  }
0x39: {  	_ = 	snop;
	(pc) =	sbr.ind lr, $3  }
0x3a: {  	_ = 	snop  }
0x3b: {  	_ = 	snop  }
0x3c: {  	p2 =	seq.s32 s10, $0x1;
	s10 =	sld [smem:$0x3FB4]  }
0x3d: {  	_ =	shalt  }
0x3e: {  	_ =	shalt  }
0x3f: {  	_ =	shalt  }
0x40: {  	_ =	shalt  }
0x41: {  	_ =	shalt  }
0x42: {  	_ =	shalt  }
0x43: {  	_ =	shalt  }
0x44: {  	_ =	shalt  }
0x45: {  	_ =	shalt  }
0x46: {  	_ =	shalt  }
0x47: {  	_ =	shalt  }
0x48: {  	_ =	shalt  }
0x49: {  	_ =	shalt  }
0x4a: {  	_ =	shalt  }
0x4b: {  	_ =	shalt  }
0x4c: {  	_ =	shalt  }
0x4d: {  	_ =	shalt  }
0x4e: {  	_ =	shalt  }
0x4f: {  	_ =	shalt  }
0x50: {  	_ =	shalt  }
0x51: {  	_ =	shalt  }
0x52: {  	_ =	shalt  }
0x53: {  	_ =	shalt  }
0x54: {  	_ =	shalt  }
0x55: {  	_ =	shalt  }
0x56: {  	_ =	shalt  }
0x57: {  	_ =	shalt  }
0x58: {  	_ =	shalt  }
0x59: {  	_ =	shalt  }
0x5a: {  	_ =	shalt  }
0x5b: {  	_ =	shalt  }
0x5c: {  	_ =	shalt  }
0x5d: {  	_ =	shalt  }
0x5e: {  	_ =	shalt  }
0x5f: {  	_ =	shalt  }
0x60: {  	_ =	shalt  }
0x61: {  	_ =	shalt  }
0x62: {  	_ =	shalt  }
0x63: {  	_ =	shalt  }
0x64: {  	_ =	shalt  }
0x65: {  	_ =	shalt  }
0x66: {  	_ =	shalt  }
0x67: {  	_ =	shalt  }
0x68: {  	_ =	shalt  }
0x69: {  	_ =	shalt  }
0x6a: {  	_ =	shalt  }
0x6b: {  	_ =	shalt  }
0x6c: {  	_ =	shalt  }
0x6d: {  	_ =	shalt  }
0x6e: {  	_ =	shalt  }
0x6f: {  	_ =	shalt  }
0x70: {  	_ =	shalt  }
0x71: {  	_ =	shalt  }
0x72: {  	_ =	shalt  }
0x73: {  	_ =	shalt  }
0x74: {  	_ =	shalt  }
0x75: {  	_ =	shalt  }
0x76: {  	_ =	shalt  }
0x77: {  	_ =	shalt  }
0x78: {  	_ =	shalt  }
0x79: {  	_ =	shalt  }
0x7a: {  	_ =	shalt  }
0x7b: {  	_ =	shalt  }
0x7c: {  	_ =	shalt  }
0x7d: {  	_ =	shalt  }
0x7e: {  	_ =	shalt  }
0x7f: {  	_ =	shalt  }
0x80: {  	_ =	shalt  }
0x81: {  	_ =	shalt  }
0x82: {  	_ =	shalt  }
0x83: {  	_ =	shalt  }
0x84: {  	_ =	shalt  }
0x85: {  	_ =	shalt  }
0x86: {  	_ =	shalt  }
0x87: {  	_ =	shalt  }
.Lfunc_end0:
.L_simem_size_0:
called_computation.2_lowered:
.L_overlay_start_0:
0x88: {  	s2 =	sld [smem:$0x3FD9]  }
0x89: {  	s3 =	sld [smem:$0x3FFE];
	_ =	sdelay $0x1  }
0x8a: {  	s1 =	srdreg.scid  }
0x8b: {  	s0 =	sand.u32 $0x1, s1  }
0x8c: {  	s14 =	sshll.u32 s0, $0xA;
	s2 =	sadd.s32 s3, s2  }
0x8d: {  	s2 =	sadd.s32 s2, s14  }
0x8e: {  	[smem:$0x3FC0] =	sst s2  }
0x8f: {  	_ = 	snop  }
0x90: {  	s2 =	sld [smem:$0x3FD0];
	_ =	sdelay $0x2  }
0x91: {  	s15 =	simm.s32 $0xA;
	s4 =	simm.s32 $0x10  }
0x92: {  	[smem:s4], [sflag:s15] =	dma.local [hbm:s2], $0x1  }
0x93: {  	_ =	swait.eq [sflag:s15], $0x1  }
0x94: {  	[sflag:s15] =	ssyncset.done $0x0  }
0x95: {  	s16 =	sld [smem:$0x10];
	[sflag:s15] =	ssyncadd.s32 $0xFFFFFFFF  }
0x96: {  	s17 =	sld [smem:$0x11];
	(tm) =	ssettm $0x1  }
0x97: {  	s18 =	sld [smem:$0x3FFB];
	_ =	sdelay $0x3  }
0x98: {  	_ =	strace s18  }
0x99: {  	s4 =	sld [smem:$0x3FFC];
	_ =	sdelay $0x3  }
0x9a: {  	_ =	strace s4  }
0x9b: {  	s4 =	sld [smem:$0x3FFD];
	_ =	sdelay $0x3  }
0x9c: {  	_ =	strace s4  }
0x9d: {  	_ =	strace $0x8FFFFFFF  }
0x9e: {  	s19 =	sld [smem:$0x3FDB];
	_ =	sdelay $0x1  }
0x9f: {  	s5 =	simm.s32 $_scs_section_size  }
0xa0: {  	s6 =	simm.s32 $_size__tile_overlayer_lowered;
	s7 =	simm.s32 $_tile_overlayer_lowered  }
0xa1: {  	s22 =	simm.s32 $0x1BFF;
	s21 =	sshll.u32 s7, $0x1;
	s4 =	sadd.s32 s5, s19  }
0xa2: {  	s8 =	simm.s32 $0x0;
	s20 =	sshll.u32 s6, $0x1;
	s6 =	sadd.s32 s21, s4  }
0xa3: {  	[timem:s8], [sflag:s22] =	dma.local [hbm:s6], s20  }
0xa4: {  	_ =	swait.ge [sflag:s22], s20  }
0xa5: {  	s5 =	ssub.s32 $0x0, s20;
	[sflag:s22] =	ssyncset.done $0x0  }
0xa6: {  	[sflag:s22] =	ssyncadd.s32 s5;
	_ =	sdelay $0x1  }
0xa7: {  	s23 =	simm.s32 $0x1B8B  }
0xa8: {  	_ =	swait.ge [sflag:s23], $0x1  }
0xa9: {  	[sflag:s23] =	ssyncset.done $0x0  }
0xaa: {  	s25 =	simm.s32 $0x1B8E;
	s24 =	sld [smem:$0x3FFE];
	[sflag:s23] =	ssyncadd.s32 $0xFFFFFFFF  }
0xab: {  	s26 =	simm.s32 $execute0_lowered;
	[smem:$0x3FD2] =	sst s25  }
0xac: {  	s6 =	sshll.u32 s26, $0x1;
	_ =	strace $0x8000004C;
	[dreg:$0x1] =	wrdreg $0xFFFFFFFF  }
0xad: {  	s28 =	simm.s32 $_size_execute0_lowered;
	s4 =	sadd.s32 s4, s6;
	[dreg:$0x0] =	wrdreg $0x0  }
0xae: {  	s6 =	sshll.u32 s28, $0x1;
	[dreg:$0x2] =	wrdreg s4  }
0xaf: {  	[dreg:$0x3] =	wrdreg s6  }
0xb0: {  	[dreg:$0x4] =	wrdreg $0xC0  }
0xb1: {  	_ =	task [dreg:s8], $0x5FFFF  }
0xb2: {  	[dreg:$0x1] =	wrdreg $0xFFFFFFFF  }
0xb3: {  	[dreg:$0x0] =	wrdreg $0x60  }
0xb4: {  	[dreg:$0x2] =	wrdreg s24  }
0xb5: {  	[dreg:$0x3] =	wrdreg s17  }
0xb6: {  	[dreg:$0x4] =	wrdreg s16  }
0xb7: {  	[dreg:$0x5] =	wrdreg $0x69000  }
0xb8: {  	[dreg:$0x6] =	wrdreg $0x9  }
0xb9: {  	_ =	task.clear_ibuf [dreg:s8], $0x7FFFF;
	_ =	strace $0x9000004C  }
0xba: {  	s29 =	simm.s32 $0x9;
	_ =	strace $0x8000004E  }
0xbb: {  	_ =	swait.ge [sflag:s29], $0x1  }
0xbc: {  	[sflag:s29] =	ssyncadd.s32 $0xFFFFFFFF  }
0xbd: {  	_ =	strace $0x9000004E  }
0xbe: {  	_ =	sfence  }
0xbf: {  	s30 =	sld [smem:$0x0];
	_ =	sdelay $0x2  }
0xc0: {  	s31 =	sshll.u32 s1, $0xD;
	s1 =	sshrl.u32 s1, $0x2  }
0xc1: {  	s3 =	sand.u32 $0x4000, s31;
	s1 =	sadd.s32 s1, s30  }
0xc2: {  	s0 =	sor.u32 s3, s0;
	s1 =	sshll.u32 s1, $0x11  }
0xc3: {  	s0 =	sor.u32 s1, s0  }
0xc4: {  	s0 =	sadd.s32 $0x8F2B, s0  }
0xc5: {  	[sflag:s0] =	ssyncadd.remote.s32 $0x1  }
0xc6: {  	_ =	sfence.sel $0xFFFF  }
0xc7: {  	[dreg:$0x0] =	wrdreg $0xFFFFFFFF;
	(pc) =	sbr.abs _section_cstart, $3  }
0xc8: {  	[dreg:$0x1] =	wrdreg $0xFFFFFFFF  }
0xc9: {  	_ =	task.clear_ibuf [dreg:s8], $0x2FFFF;
	_ =	strace $0x9FFFFFFF  }
0xca: {  	(tm) =	ssettm $0x7FFFFFFF  }
0xcb: {  	_ =	shalt  }
tec
execute0_lowered:
.L_overlay_start_1:
0x0: {  	(tag) =	ssettag $0x1  }
0x1: {  	s5 =	rddreg [dreg:$0x0]  }
0x2: {  	s17 =	rddreg [dreg:$0x1]  }
0x3: {  	s16 =	rddreg [dreg:$0x2]  }
0x4: {  	s1 =	rddreg [dreg:$0x3];
	s2 =	stileid.u32  }
0x5: {  	s0 =	rddreg [dreg:$0x4];
	s7 =	smul.u32 $0x50000, s2  }
0x6: {  	s3 =	simm.s32 $0x0;
	s4 =	srdreg.scid;
	s9 =	smul.u32 $0x14000, s2  }
0x7: {  	[smem:$0x7FF] =	sst s3;
	s12 =	sand.u32 $0x1, s4;
	s25 =	smul.u32 $0x4E20, s2  }
0x8: {  	s4 =	sadd.s32 $0x52A00, s5;
	s14 =	sadd.s32 $0x79C00, s5;
	s13 =	smul.u32 $0x140000, s12  }
0x9: {  	_ =	strace $0x8000004D;
	s6 =	ssub.s32 $0x2, s12;
	s22 =	smul.u32 $0x2710, s12  }
0xa: {  	s8 =	sshrl.u32 s6, $0x1;
	s23 =	sshrl.u32 s7, $0x2;
	s10 =	sadd.s32 $0x4000, s9  }
0xb: {  	s18 =	sadd.s32 $0x8000, s9;
	s19 =	sadd.s32 $0xC000, s9;
	s20 =	sadd.s32 $0x10000, s9  }
0xc: {  	s15 =	ssub.s32 s6, s8;
	s5 =	sadd.s32 s23, s1;
	s6 =	sadd.s32 s10, s1  }
0xd: {  	s7 =	sadd.s32 s18, s1;
	s8 =	sadd.s32 s19, s1;
	s11 =	sadd.s32 s9, s13  }
0xe: {  	s21 =	sadd.s32 s13, s10;
	s9 =	sadd.s32 s20, s1;
	s18 =	sadd.s32 s13, s18  }
0xf: {  	s19 =	sadd.s32 s13, s19;
	s28 =	sadd.s32 s13, s20;
	s30 =	sadd.s32 s22, s25  }
0x10: {  	s20 =	simm.s32 $0x80;
	s22 =	simm.s32 $0x100;
	s23 =	simm.s32 $0x1  }
0x11: {  	s11 =	sshrl.u32 s11, $0x3;
	s24 =	sshrl.u32 s21, $0x3;
	s18 =	sshrl.u32 s18, $0x3  }
0x12: {  	s26 =	sshrl.u32 s19, $0x3;
	s29 =	sshrl.u32 s28, $0x3;
	s15 =	smax.u32 s15, $0x1  }
0x13: {  	s31 =	sshrl.u32 s30, $0x3;
	s19 =	simm.s32 $0x2;
	s21 =	simm.s32 $0x50  }
0x14: {  	s10 =	sadd.s32 s14, s11;
	s11 =	sadd.s32 s14, s24;
	s12 =	sadd.s32 s14, s18  }
0x15: {  	s13 =	sadd.s32 s14, s26;
	s14 =	sadd.s32 s14, s29;
	s16 =	sadd.s32 s31, s16  }
0x16: {  	v0 =	vimm.f32 $0.0e+00;
	s17 =	sadd.s32 s31, s17;
	s18 =	simm.s32 $0x2900;
	s24 =	simm.s32 $0x0  }
.LBB2_1:
0x17: {  	s25 =	simm.s32 $0x0;
	s26 =	simm.s32 $0x200  }
.LBB2_2:
0x18: {  	p0 =	sne.s32 s26, $0xFE00;
	[tilespmem:s25+$0x2970] =	vst v0  }
0x19: {  	[tilespmem:s25+$0x2900] =	vst v0  }
0x1a: {  	[tilespmem:s25+$0x2910] =	vst v0  }
.Ltmp0:
0x1b: {  	[tilespmem:s25+$0x2920] =	vst v0;
	(pc) =	sbr.rel @p0 .LBB2_2-.Ltmp0, $4  }
0x1c: {  	[tilespmem:s25+$0x2930] =	vst v0  }
0x1d: {  	[tilespmem:s25+$0x2940] =	vst v0  }
0x1e: {  	[tilespmem:s25+$0x2950] =	vst v0  }
0x1f: {  	[tilespmem:s25+$0x2960] =	vst v0;
	s25 =	sshra.s32 s26, $0x2;
	s26 =	sadd.s32 $0x200, s26  }
0x20: {  	[tilespmem:s25+$0x2970] =	vst v0  }
0x21: {  	[tilespmem:s25+$0x2900] =	vst v0  }
0x22: {  	[tilespmem:s25+$0x2910] =	vst v0  }
0x23: {  	[tilespmem:s25+$0x2920] =	vst v0  }
0x24: {  	[tilespmem:s25+$0x2930] =	vst v0  }
0x25: {  	[tilespmem:s25+$0x2940] =	vst v0  }
0x26: {  	[tilespmem:s25+$0x2950] =	vst v0  }
0x27: {  	[tilespmem:s25+$0x2960] =	vst v0  }
0x28: {  	[spmem:s5] =	stream.linear.scatter [tilespmem:s18], [sflag:$0x2], $0x4000, $0x38;
	[tilespmem:$0x1A900] =	vst v63  }
0x29: {  	_ =	swait.ge [sflag:s19], $0x4000  }
0x2a: {  	[sflag:s19] =	ssyncset.done $0x0  }
0x2b: {  	[sflag:s19] =	ssyncadd.s32 $0xFFFFC000  }
0x2c: {  	[spmem:s6] =	stream.linear.scatter [tilespmem:s18], [sflag:$0x2], $0x4000, $0x38;
	[tilespmem:$0x1A900] =	vst v63  }
0x2d: {  	_ =	swait.ge [sflag:s19], $0x4000  }
0x2e: {  	[sflag:s19] =	ssyncset.done $0x0  }
0x2f: {  	[sflag:s19] =	ssyncadd.s32 $0xFFFFC000  }
0x30: {  	[spmem:s7] =	stream.linear.scatter [tilespmem:s18], [sflag:$0x2], $0x4000, $0x38;
	[tilespmem:$0x1A900] =	vst v63  }
0x31: {  	_ =	swait.ge [sflag:s19], $0x4000  }
0x32: {  	[sflag:s19] =	ssyncset.done $0x0  }
0x33: {  	[sflag:s19] =	ssyncadd.s32 $0xFFFFC000  }
0x34: {  	[spmem:s8] =	stream.linear.scatter [tilespmem:s18], [sflag:$0x2], $0x4000, $0x38;
	[tilespmem:$0x1A900] =	vst v63  }
0x35: {  	_ =	swait.ge [sflag:s19], $0x4000  }
0x36: {  	[sflag:s19] =	ssyncset.done $0x0  }
0x37: {  	[sflag:s19] =	ssyncadd.s32 $0xFFFFC000  }
0x38: {  	[spmem:s9] =	stream.linear.scatter [tilespmem:s18], [sflag:$0x2], $0x4000, $0x38;
	[tilespmem:$0x1A900] =	vst v63  }
0x39: {  	_ =	swait.ge [sflag:s19], $0x4000  }
0x3a: {  	[sflag:s19] =	ssyncset.done $0x0  }
0x3b: {  	[sflag:s19] =	ssyncadd.s32 $0xFFFFC000  }
0x3c: {  	s30 =	sadd.s32 $0x0, s17;
	[bflag:$0x0] =	sbarrier.arrive $0xFFFF  }
0x3d: {  	[tilespmem:s3], [sflag:$0x2] =	stream.linear.gather [hbm4b:s30+s3], $0x50, $0x38;
	[tilespmem:$0x1A900] =	vst v63  }
0x3e: {  	_ =	swait.ge [sflag:s19], $0x50  }
0x3f: {  	[sflag:s19] =	ssyncset.done $0x0  }
0x40: {  	s31 =	sadd.s32 $0x0, s16;
	[sflag:s19] =	ssyncadd.s32 $0xFFFFFFB0  }
0x41: {  	[tilespmem:s20], [sflag:$0x2] =	stream.linear.gather [hbm4b:s31+s3], $0x50, $0x38;
	[tilespmem:$0x1A900] =	vst v63  }
0x42: {  	_ =	swait.ge [sflag:s19], $0x50  }
0x43: {  	[sflag:s19] =	ssyncset.done $0x0  }
0x44: {  	[sflag:s19] =	ssyncadd.s32 $0xFFFFFFB0  }
0x45: {  	[tilespmem:s22], [sflag:$0x1] =	stream.indirect.gather [hbm4b:s4+s21], $0x80, s3, s21, $0xb8;
	[tilespmem:$0x1A900] =	vst v63  }
0x46: {  	_ =	swait.ge [sflag:s23], $0x2800  }
0x47: {  	[sflag:s23] =	ssyncset.done $0x0  }
0x48: {  	[sflag:s23] =	ssyncadd.s32 $0xFFFFD800  }
0x49: {  	[spmem:s1] =	stream.indirect.scatter.add.f32 [tilespmem:s22], [sflag:$0x2], $0x80, s20, s21, $0xb8;
	[tilespmem:$0x1A900] =	vst v63  }
0x4a: {  	_ =	swait.ge [sflag:s19], $0x2800  }
0x4b: {  	s25 =	simm.s32 $0xA;
	s26 =	simm.s32 $0x14;
	[sflag:s19] =	ssyncset.done $0x0  }
.LBB2_4:
0x4c: {  	s28 =	sadd.s32 s25, s17  }
0x4d: {  	[sflag:s19] =	ssyncadd.s32 $0xFFFFD800;
	s29 =	smov.u32 s26;
	s30 =	sadd.s32 $0xA, s26  }
0x4e: {  	[tilespmem:s3], [sflag:$0x2] =	stream.linear.gather [hbm4b:s28+s3], $0x50, $0x38;
	[tilespmem:$0x1A900] =	vst v63  }
0x4f: {  	p0 =	sne.s32 s26, $0x4D8;
	_ =	swait.ge [sflag:s19], $0x50  }
0x50: {  	[sflag:s19] =	ssyncset.done $0x0  }
0x51: {  	s26 =	sadd.s32 s25, s16;
	s25 =	smov.u32 s29;
	[sflag:s19] =	ssyncadd.s32 $0xFFFFFFB0  }
0x52: {  	[tilespmem:s20], [sflag:$0x2] =	stream.linear.gather [hbm4b:s26+s3], $0x50, $0x38;
	[tilespmem:$0x1A900] =	vst v63  }
0x53: {  	_ =	swait.ge [sflag:s19], $0x50  }
0x54: {  	[sflag:s19] =	ssyncset.done $0x0  }
0x55: {  	[sflag:s19] =	ssyncadd.s32 $0xFFFFFFB0  }
0x56: {  	[tilespmem:s22], [sflag:$0x1] =	stream.indirect.gather [hbm4b:s4+s21], $0x80, s3, s21, $0xb8;
	[tilespmem:$0x1A900] =	vst v63  }
0x57: {  	_ =	swait.ge [sflag:s23], $0x2800  }
.Ltmp1:
0x58: {  	[sflag:s23] =	ssyncset.done $0x0;
	(pc) =	sbr.rel @p0 .LBB2_4-.Ltmp1, $4  }
0x59: {  	[sflag:s23] =	ssyncadd.s32 $0xFFFFD800  }
0x5a: {  	[spmem:s1] =	stream.indirect.scatter.add.f32 [tilespmem:s22], [sflag:$0x2], $0x80, s20, s21, $0xb8;
	[tilespmem:$0x1A900] =	vst v63  }
0x5b: {  	_ =	swait.ge [sflag:s19], $0x2800  }
0x5c: {  	s26 =	smov.u32 s30;
	[sflag:s19] =	ssyncset.done $0x0  }
0x5d: {  	s26 =	sadd.s32 s25, s17;
	[sflag:s19] =	ssyncadd.s32 $0xFFFFD800  }
0x5e: {  	[tilespmem:s3], [sflag:$0x2] =	stream.linear.gather [hbm4b:s26+s3], $0x50, $0x38;
	[tilespmem:$0x1A900] =	vst v63  }
0x5f: {  	_ =	swait.ge [sflag:s19], $0x50  }
0x60: {  	[sflag:s19] =	ssyncset.done $0x0  }
0x61: {  	s29 =	sadd.s32 s25, s16;
	[sflag:s19] =	ssyncadd.s32 $0xFFFFFFB0  }
0x62: {  	[tilespmem:s20], [sflag:$0x2] =	stream.linear.gather [hbm4b:s29+s3], $0x50, $0x38;
	[tilespmem:$0x1A900] =	vst v63  }
0x63: {  	_ =	swait.ge [sflag:s19], $0x50  }
0x64: {  	[sflag:s19] =	ssyncset.done $0x0  }
0x65: {  	[sflag:s19] =	ssyncadd.s32 $0xFFFFFFB0  }
0x66: {  	[tilespmem:s22], [sflag:$0x1] =	stream.indirect.gather [hbm4b:s4+s21], $0x80, s3, s21, $0xb8;
	[tilespmem:$0x1A900] =	vst v63  }
0x67: {  	_ =	swait.ge [sflag:s23], $0x2800  }
0x68: {  	[sflag:s23] =	ssyncset.done $0x0  }
0x69: {  	[sflag:s23] =	ssyncadd.s32 $0xFFFFD800  }
0x6a: {  	[spmem:s1] =	stream.indirect.scatter.add.f32 [tilespmem:s22], [sflag:$0x2], $0x80, s20, s21, $0xb8;
	[tilespmem:$0x1A900] =	vst v63  }
0x6b: {  	_ =	swait.ge [sflag:s19], $0x2800  }
0x6c: {  	[sflag:s19] =	ssyncset.done $0x0  }
0x6d: {  	s30 =	sshll.u32 s2, $0x6;
	[sflag:s19] =	ssyncadd.s32 $0xFFFFD800  }
0x6e: {  	s31 =	sshrl.u32 s5, $0x3;
	s25 =	sor.u32 $0x1C02, s30;
	[bflag:$0x0] =	sbarrier.arrive $0xFFFF  }
0x6f: {  	[hbm:s10], [sflag:s25] =	dma.local [spmem:s31], $0x800  }
0x70: {  	_ =	swait.ge [sflag:s19], $0x800  }
0x71: {  	[sflag:s19] =	ssyncset.done $0x0  }
0x72: {  	s28 =	sshrl.u32 s6, $0x3;
	[sflag:s19] =	ssyncadd.s32 $0xFFFFF800  }
0x73: {  	[hbm:s11], [sflag:s25] =	dma.local [spmem:s28], $0x800  }
0x74: {  	_ =	swait.ge [sflag:s19], $0x800  }
0x75: {  	[sflag:s19] =	ssyncset.done $0x0  }
0x76: {  	s29 =	sshrl.u32 s7, $0x3;
	[sflag:s19] =	ssyncadd.s32 $0xFFFFF800  }
0x77: {  	[hbm:s12], [sflag:s25] =	dma.local [spmem:s29], $0x800  }
0x78: {  	_ =	swait.ge [sflag:s19], $0x800  }
0x79: {  	[sflag:s19] =	ssyncset.done $0x0  }
0x7a: {  	s30 =	sshrl.u32 s8, $0x3;
	[sflag:s19] =	ssyncadd.s32 $0xFFFFF800  }
0x7b: {  	[hbm:s13], [sflag:s25] =	dma.local [spmem:s30], $0x800  }
0x7c: {  	s24 =	sadd.s32 $0x1, s24;
	_ =	swait.ge [sflag:s19], $0x800  }
0x7d: {  	p0 =	sne.s32 s24, s15;
	[sflag:s19] =	ssyncset.done $0x0  }
.Ltmp2:
0x7e: {  	s31 =	sshrl.u32 s9, $0x3;
	[sflag:s19] =	ssyncadd.s32 $0xFFFFF800;
	(pc) =	sbr.rel @p0 .LBB2_1-.Ltmp2, $4  }
0x7f: {  	[hbm:s14], [sflag:s25] =	dma.local [spmem:s31], $0x800  }
0x80: {  	_ =	swait.ge [sflag:s19], $0x800  }
0x81: {  	[sflag:s19] =	ssyncset.done $0x0  }
0x82: {  	[sflag:s19] =	ssyncadd.s32 $0xFFFFF800  }
0x83: {  	_ =	sfence.sel $0x180000  }
0x84: {  	[bflag:$0x0] =	sbarrier.arrive $0xFFFF  }
0x85: {  	p0 =	sne.s32 s2, $0x0;
	_ =	strace $0x9000004D  }
0x86: {  	s0 =	sadd.s32 @!p0 $0x100000, s0;
	[bflag:$0x2] =	sbarrier.arrive $0xFFFF  }
0x87: {  	[sflag:s0] =	ssyncadd.tile.s32 @!p0 $0x1;
	_ =	shalt  }
.Lfunc_end2:
_tile_overlayer_lowered:
.L_overlay_start_2:
0x88: {  	(tag) =	ssettag $0x2  }
0x89: {  	s0 =	rddreg [dreg:$0x0];
	s2 =	stileid.u32  }
0x8a: {  	s1 =	rddreg [dreg:$0x1];
	p0 =	sne.s32 s2, $0x0  }
0x8b: {  	s3 =	rddreg [dreg:$0x2];
	[bflag:$0x3] =	sbarrier.arrive $0xFFFF;
	s2 =	simm.s32 @!p0 $0x1C02  }
0x8c: {  	[timem:s3], [sflag:s2] =	dma.local @!p0 [hbm:s0], s1  }
0x8d: {  	s0 =	simm.s32 @!p0 $0x2  }
0x8e: {  	_ =	swait.ge @!p0 [sflag:s0], s1  }
0x8f: {  	s1 =	ssub.s32 @!p0 $0x0, s1;
	[sflag:s0] =	ssyncset.done @!p0 $0x0  }
0x90: {  	[sflag:s0] =	ssyncadd.s32 @!p0 s1  }
0x91: {  	[bflag:$0x3] =	sbarrier.arrive $0xFFFF  }
0x92: {  	_ =	shalt  }

// kernel: kernel.8.cloned.1.call-start
scs
__scs_entry_jumppad:
0x0: {  	(pc) =	sbr.rel $0x88, $3  }
0x1: {  	(tag) =	ssettag $0x0;
	lr =	simm.s32 $0x1  }
0x2: {  	[smem:$0x3F99] =	sst lr;
	_ =	strace $0xD0000000  }
0x3: {  	_ = 	snop  }
0x4: {  	_ = 	snop  }
0x5: {  	_ = 	snop  }
0x6: {  	_ = 	snop  }
0x7: {  	_ = 	snop  }
__scs_overlays_trampoline_lowered:
0x8: {  	[smem:$0x3FA8] =	sst s0  }
0x9: {  	[smem:$0x3FA9] =	sst s1  }
0xa: {  	[smem:$0x3FAA] =	sst s2  }
0xb: {  	[smem:$0x3FAB] =	sst s3  }
0xc: {  	[smem:$0x3FAC] =	sst s4  }
0xd: {  	[smem:$0x3FAD] =	sst s5  }
0xe: {  	[smem:$0x3FAE] =	sst s6  }
0xf: {  	[smem:$0x3FAF] =	sst s7  }
0x10: {  	[smem:$0x3FB0] =	sst s8  }
0x11: {  	[smem:$0x3FB1] =	sst s9;
	s0 =	simm.s32 @!p0 $0x0  }
0x12: {  	s1 =	sld [smem:$0x3F97];
	s0 =	simm.s32 @p0 $0x1  }
0x13: {  	[smem:$0x3FB2] =	sst s0;
	s0 =	simm.s32 @!p1 $0x0  }
0x14: {  	s2 =	sld [smem:$0x3F96];
	s0 =	simm.s32 @p1 $0x1  }
0x15: {  	[smem:$0x3FB3] =	sst s0;
	s0 =	simm.s32 @!p2 $0x0  }
0x16: {  	s3 =	sld [smem:$0x3FDB];
	s0 =	simm.s32 @p2 $0x1  }
0x17: {  	s4 =	simm.s32 $0x1BF5;
	[smem:$0x3FB5] =	sst s0  }
0x18: {  	s0 =	sld [smem:$0x3F98];
	_ =	swait.ge [sflag:s4], $0x0  }
0x19: {  	s7 =	sld [smem:$0x3F99]  }
0x1a: {  	s8 =	sadd.s32 $0xFFFFE003, lr  }
0x1b: {  	s9 =	sadd.s32 $0xFFFFFEF7, lr;
	s5 =	simm.s32 $0xFFFFFFFF;
	p2 =	slt.u32 s8, $0xFFFFF086  }
0x1c: {  	p1 =	slt.u32 s9, $0xF7A;
	s5 =	simm.s32 @!p2 $0x0  }
0x1d: {  	s5 =	simm.s32 @p1 $0x1;
	p0 =	seq.s32 s7, s2  }
0x1e: {  	s7 =	smul.u32 @!p0 $0xF7A, s2;
	p2 =	seq.s32 @!p0 s5, $0x0  }
0x1f: {  	s9 =	smul.u32 $0xF7A, s1;
	s8 =	simm.s32 @!p0 $0x1BF5;
	p2 =	por !p2, p0  }
0x20: {  	[sflag:s8] =	ssyncset.s32 @!p0 $0xFFFFF086;
	s6 =	sadd.s32 @!p0 s3, s7;
	s7 =	simm.s32 @!p0 $0x108  }
0x21: {  	s3 =	sadd.s32 s3, s9;
	s6 =	sadd.s32 @!p0 $0x88, s6;
	s7 =	simm.s32 @p2 $0x1082  }
0x22: {  	[simem:s7], [sflag:s8] =	dma.local @!p0 [hbm:s6], $0xF7A  }
0x23: {  	s9 =	sor.u32 $0xD0000000, s2;
	s6 =	simm.s32 $0x108;
	_ =	swait.ge @!p0 [sflag:s8], $0x0  }
0x24: {  	s3 =	sadd.s32 $0x88, s3;
	s6 =	simm.s32 @!p1 $0x1082;
	[sflag:s4] =	ssyncset.s32 $0xFFFFF086  }
0x25: {  	[simem:s6], [sflag:s4] =	dma.local [hbm:s3], $0xF7A  }
0x26: {  	[smem:$0x3F99] =	sst s1;
	(tag) =	ssettag s2;
	_ =	strace s9  }
0x27: {  	s1 =	sld [smem:$0x3FA9]  }
0x28: {  	s2 =	sld [smem:$0x3FAA]  }
0x29: {  	s4 =	sld [smem:$0x3FAC]  }
0x2a: {  	p0 =	seq.s32 s5, $0x0;
	s5 =	sld [smem:$0x3FAD]  }
0x2b: {  	s6 =	sld [smem:$0x3FAE]  }
0x2c: {  	s7 =	sld [smem:$0x3FAF]  }
0x2d: {  	s3 =	simm.s32 $0x108;
	s8 =	sld [smem:$0x3FB0]  }
0x2e: {  	s3 =	simm.s32 @!p0 $0x1082;
	s9 =	sld [smem:$0x3FB1]  }
0x2f: {  	lr =	sadd.s32 s0, s3;
	s0 =	sld [smem:$0x3FA8]  }
0x30: {  	s3 =	sld [smem:$0x3FAB]  }
0x31: {  	[smem:$0x3FB4] =	sst s10  }
0x32: {  	s10 =	sld [smem:$0x3FB2];
	_ =	sdelay $0x3  }
0x33: {  	p0 =	seq.s32 s10, $0x1;
	s10 =	sld [smem:$0x3FB4];
	_ =	sdelay $0x3  }
0x34: {  	[smem:$0x3FB4] =	sst s10  }
0x35: {  	s10 =	sld [smem:$0x3FB3];
	_ =	sdelay $0x3  }
0x36: {  	p1 =	seq.s32 s10, $0x1;
	s10 =	sld [smem:$0x3FB4];
	_ =	sdelay $0x3  }
0x37: {  	[smem:$0x3FB4] =	sst s10  }
0x38: {  	s10 =	sld [smem:$0x3FB5]  }
0x39: {  	_ = 	snop;
	(pc) =	sbr.ind lr, $3  }
0x3a: {  	_ = 	snop  }
0x3b: {  	_ = 	snop  }
0x3c: {  	p2 =	seq.s32 s10, $0x1;
	s10 =	sld [smem:$0x3FB4]  }
0x3d: {  	_ =	shalt  }
0x3e: {  	_ =	shalt  }
0x3f: {  	_ =	shalt  }
0x40: {  	_ =	shalt  }
0x41: {  	_ =	shalt  }
0x42: {  	_ =	shalt  }
0x43: {  	_ =	shalt  }
0x44: {  	_ =	shalt  }
0x45: {  	_ =	shalt  }
0x46: {  	_ =	shalt  }
0x47: {  	_ =	shalt  }
0x48: {  	_ =	shalt  }
0x49: {  	_ =	shalt  }
0x4a: {  	_ =	shalt  }
0x4b: {  	_ =	shalt  }
0x4c: {  	_ =	shalt  }
0x4d: {  	_ =	shalt  }
0x4e: {  	_ =	shalt  }
0x4f: {  	_ =	shalt  }
0x50: {  	_ =	shalt  }
0x51: {  	_ =	shalt  }
0x52: {  	_ =	shalt  }
0x53: {  	_ =	shalt  }
0x54: {  	_ =	shalt  }
0x55: {  	_ =	shalt  }
0x56: {  	_ =	shalt  }
0x57: {  	_ =	shalt  }
0x58: {  	_ =	shalt  }
0x59: {  	_ =	shalt  }
0x5a: {  	_ =	shalt  }
0x5b: {  	_ =	shalt  }
0x5c: {  	_ =	shalt  }
0x5d: {  	_ =	shalt  }
0x5e: {  	_ =	shalt  }
0x5f: {  	_ =	shalt  }
0x60: {  	_ =	shalt  }
0x61: {  	_ =	shalt  }
0x62: {  	_ =	shalt  }
0x63: {  	_ =	shalt  }
0x64: {  	_ =	shalt  }
0x65: {  	_ =	shalt  }
0x66: {  	_ =	shalt  }
0x67: {  	_ =	shalt  }
0x68: {  	_ =	shalt  }
0x69: {  	_ =	shalt  }
0x6a: {  	_ =	shalt  }
0x6b: {  	_ =	shalt  }
0x6c: {  	_ =	shalt  }
0x6d: {  	_ =	shalt  }
0x6e: {  	_ =	shalt  }
0x6f: {  	_ =	shalt  }
0x70: {  	_ =	shalt  }
0x71: {  	_ =	shalt  }
0x72: {  	_ =	shalt  }
0x73: {  	_ =	shalt  }
0x74: {  	_ =	shalt  }
0x75: {  	_ =	shalt  }
0x76: {  	_ =	shalt  }
0x77: {  	_ =	shalt  }
0x78: {  	_ =	shalt  }
0x79: {  	_ =	shalt  }
0x7a: {  	_ =	shalt  }
0x7b: {  	_ =	shalt  }
0x7c: {  	_ =	shalt  }
0x7d: {  	_ =	shalt  }
0x7e: {  	_ =	shalt  }
0x7f: {  	_ =	shalt  }
0x80: {  	_ =	shalt  }
0x81: {  	_ =	shalt  }
0x82: {  	_ =	shalt  }
0x83: {  	_ =	shalt  }
0x84: {  	_ =	shalt  }
0x85: {  	_ =	shalt  }
0x86: {  	_ =	shalt  }
0x87: {  	_ =	shalt  }
.Lfunc_end0:
.L_simem_size_0:
called_computation_lowered:
.L_overlay_start_0:
0x88: {  	s2 =	sld [smem:$0x3FD9]  }
0x89: {  	s3 =	sld [smem:$0x3FFE];
	_ =	sdelay $0x1  }
0x8a: {  	s1 =	srdreg.scid  }
0x8b: {  	s0 =	sand.u32 $0x1, s1  }
0x8c: {  	s14 =	sshll.u32 s0, $0xA;
	s2 =	sadd.s32 s3, s2  }
0x8d: {  	s2 =	sadd.s32 s2, s14  }
0x8e: {  	[smem:$0x3FC0] =	sst s2  }
0x8f: {  	_ = 	snop  }
0x90: {  	s2 =	sld [smem:$0x3FD0];
	_ =	sdelay $0x2  }
0x91: {  	s15 =	simm.s32 $0xA;
	s4 =	simm.s32 $0x10  }
0x92: {  	[smem:s4], [sflag:s15] =	dma.local [hbm:s2], $0x1  }
0x93: {  	_ =	swait.eq [sflag:s15], $0x1  }
0x94: {  	[sflag:s15] =	ssyncset.done $0x0  }
0x95: {  	[sflag:s15] =	ssyncadd.s32 $0xFFFFFFFF  }
0x96: {  	s16 =	sld [smem:$0x10];
	(tm) =	ssettm $0x1  }
0x97: {  	s17 =	sld [smem:$0x3FFB];
	_ =	sdelay $0x3  }
0x98: {  	_ =	strace s17  }
0x99: {  	s3 =	sld [smem:$0x3FFC];
	_ =	sdelay $0x3  }
0x9a: {  	_ =	strace s3  }
0x9b: {  	s3 =	sld [smem:$0x3FFD];
	_ =	sdelay $0x3  }
0x9c: {  	_ =	strace s3  }
0x9d: {  	_ =	strace $0x8FFFFFFF  }
0x9e: {  	s18 =	sld [smem:$0x3FDB];
	_ =	sdelay $0x1  }
0x9f: {  	s19 =	simm.s32 $_scs_section_size  }
0xa0: {  	s5 =	simm.s32 $_size__tile_overlayer_lowered;
	s6 =	simm.s32 $_tile_overlayer_lowered  }
0xa1: {  	s22 =	simm.s32 $0x1BFF;
	s21 =	sshll.u32 s6, $0x1;
	s3 =	sadd.s32 s19, s18  }
0xa2: {  	s7 =	simm.s32 $0x0;
	s20 =	sshll.u32 s5, $0x1;
	s5 =	sadd.s32 s21, s3  }
0xa3: {  	[timem:s7], [sflag:s22] =	dma.local [hbm:s5], s20  }
0xa4: {  	_ =	swait.ge [sflag:s22], s20  }
0xa5: {  	s4 =	ssub.s32 $0x0, s20;
	[sflag:s22] =	ssyncset.done $0x0  }
0xa6: {  	[sflag:s22] =	ssyncadd.s32 s4;
	_ =	sdelay $0x1  }
0xa7: {  	s23 =	simm.s32 $0x1B8B  }
0xa8: {  	_ =	swait.ge [sflag:s23], $0x1  }
0xa9: {  	[sflag:s23] =	ssyncset.done $0x0  }
0xaa: {  	s25 =	simm.s32 $0x1B8E;
	s24 =	sld [smem:$0x3FFE];
	[sflag:s23] =	ssyncadd.s32 $0xFFFFFFFF  }
0xab: {  	s26 =	simm.s32 $execute0_lowered;
	[smem:$0x3FD2] =	sst s25  }
0xac: {  	s5 =	sshll.u32 s26, $0x1;
	_ =	strace $0x80000046;
	[dreg:$0x1] =	wrdreg $0xFFFFFFFF  }
0xad: {  	s28 =	simm.s32 $_size_execute0_lowered;
	s3 =	sadd.s32 s3, s5;
	[dreg:$0x0] =	wrdreg $0x0  }
0xae: {  	s5 =	sshll.u32 s28, $0x1;
	[dreg:$0x2] =	wrdreg s3  }
0xaf: {  	[dreg:$0x3] =	wrdreg s5  }
0xb0: {  	[dreg:$0x4] =	wrdreg $0xC0  }
0xb1: {  	_ =	task [dreg:s7], $0x5FFFF  }
0xb2: {  	[dreg:$0x1] =	wrdreg $0xFFFFFFFF  }
0xb3: {  	[dreg:$0x0] =	wrdreg $0x60  }
0xb4: {  	[dreg:$0x2] =	wrdreg s16  }
0xb5: {  	[dreg:$0x3] =	wrdreg s24  }
0xb6: {  	[dreg:$0x4] =	wrdreg $0x68800  }
0xb7: {  	[dreg:$0x5] =	wrdreg $0x9  }
0xb8: {  	_ =	task.clear_ibuf [dreg:s7], $0x6FFFF;
	_ =	strace $0x90000046  }
0xb9: {  	s29 =	simm.s32 $0x9;
	_ =	strace $0x80000048  }
0xba: {  	_ =	swait.ge [sflag:s29], $0x1  }
0xbb: {  	[sflag:s29] =	ssyncadd.s32 $0xFFFFFFFF  }
0xbc: {  	_ =	strace $0x90000048  }
0xbd: {  	_ =	sfence  }
0xbe: {  	s30 =	sld [smem:$0x0];
	_ =	sdelay $0x2  }
0xbf: {  	s31 =	sshll.u32 s1, $0xD;
	s1 =	sshrl.u32 s1, $0x2  }
0xc0: {  	s3 =	sand.u32 $0x4000, s31;
	s1 =	sadd.s32 s1, s30  }
0xc1: {  	s0 =	sor.u32 s3, s0;
	s1 =	sshll.u32 s1, $0x11  }
0xc2: {  	s0 =	sor.u32 s1, s0  }
0xc3: {  	s0 =	sadd.s32 $0x8F2B, s0  }
0xc4: {  	[sflag:s0] =	ssyncadd.remote.s32 $0x1  }
0xc5: {  	_ =	sfence.sel $0xFFFF  }
0xc6: {  	[dreg:$0x0] =	wrdreg $0xFFFFFFFF;
	(pc) =	sbr.abs _section_cstart, $3  }
0xc7: {  	[dreg:$0x1] =	wrdreg $0xFFFFFFFF  }
0xc8: {  	_ =	task.clear_ibuf [dreg:s7], $0x2FFFF;
	_ =	strace $0x9FFFFFFF  }
0xc9: {  	(tm) =	ssettm $0x7FFFFFFF  }
tec
execute0_lowered:
.L_overlay_start_1:
0x0: {  	(tag) =	ssettag $0x1  }
0x1: {  	s15 =	rddreg [dreg:$0x0]  }
0x2: {  	s4 =	rddreg [dreg:$0x1]  }
0x3: {  	s2 =	rddreg [dreg:$0x2];
	s1 =	stileid.u32  }
0x4: {  	s0 =	rddreg [dreg:$0x3];
	s6 =	smul.u32 $0x50000, s1  }
0x5: {  	s5 =	srdreg.scid;
	s8 =	smul.u32 $0x14000, s1  }
0x6: {  	s3 =	simm.s32 $0x0;
	s11 =	sand.u32 $0x1, s5;
	s25 =	smul.u32 $0x4E20, s1  }
0x7: {  	[smem:$0x7FF] =	sst s3;
	s13 =	sadd.s32 $0x2A00, s4;
	s12 =	smul.u32 $0x140000, s11  }
0x8: {  	s5 =	ssub.s32 $0x2, s11;
	_ =	strace $0x80000047;
	s20 =	smul.u32 $0x2710, s11  }
0x9: {  	s7 =	sshrl.u32 s5, $0x1;
	s23 =	sshrl.u32 s6, $0x2;
	s9 =	sadd.s32 $0x4000, s8  }
0xa: {  	s16 =	sadd.s32 $0x8000, s8;
	s17 =	sadd.s32 $0xC000, s8;
	s18 =	sadd.s32 $0x10000, s8  }
0xb: {  	s14 =	ssub.s32 s5, s7;
	s4 =	sadd.s32 s23, s2;
	s5 =	sadd.s32 s9, s2  }
0xc: {  	s6 =	sadd.s32 s16, s2;
	s7 =	sadd.s32 s17, s2;
	s10 =	sadd.s32 s8, s12  }
0xd: {  	s19 =	sadd.s32 s12, s9;
	s8 =	sadd.s32 s18, s2;
	s16 =	sadd.s32 s12, s16  }
0xe: {  	s17 =	sadd.s32 s12, s17;
	s28 =	sadd.s32 s12, s18;
	s30 =	sadd.s32 s20, s25  }
0xf: {  	s18 =	simm.s32 $0x50;
	s20 =	simm.s32 $0x0;
	s10 =	sshrl.u32 s10, $0x3  }
0x10: {  	s24 =	sshrl.u32 s19, $0x3;
	s16 =	sshrl.u32 s16, $0x3;
	s26 =	sshrl.u32 s17, $0x3  }
0x11: {  	s29 =	sshrl.u32 s28, $0x3;
	s14 =	smax.u32 s14, $0x1;
	s31 =	sshrl.u32 s30, $0x3  }
0x12: {  	s17 =	simm.s32 $0x1;
	s19 =	simm.s32 $0x80;
	s9 =	sadd.s32 s13, s10  }
0x13: {  	s10 =	sadd.s32 s13, s24;
	s11 =	sadd.s32 s13, s16;
	s12 =	sadd.s32 s13, s26  }
0x14: {  	v0 =	vimm.f32 $1.000000000e+00;
	v1 =	vimm.f32 $0.0e+00;
	s13 =	sadd.s32 s13, s29;
	s15 =	sadd.s32 s31, s15;
	s16 =	simm.s32 $0x2880  }
.LBB2_1:
0x15: {  	s21 =	simm.s32 $0x0;
	s22 =	simm.s32 $0x200  }
.LBB2_2:
0x16: {  	p0 =	sne.s32 s22, $0x9E00;
	[tilespmem:s21+$0xF0] =	vst v0  }
0x17: {  	[tilespmem:s21+$0x80] =	vst v0  }
0x18: {  	[tilespmem:s21+$0x90] =	vst v0  }
.Ltmp0:
0x19: {  	[tilespmem:s21+$0xA0] =	vst v0;
	(pc) =	sbr.rel @p0 .LBB2_2-.Ltmp0, $4  }
0x1a: {  	[tilespmem:s21+$0xB0] =	vst v0  }
0x1b: {  	[tilespmem:s21+$0xC0] =	vst v0  }
0x1c: {  	[tilespmem:s21+$0xD0] =	vst v0  }
0x1d: {  	[tilespmem:s21+$0xE0] =	vst v0;
	s21 =	sshra.s32 s22, $0x2;
	s22 =	sadd.s32 $0x200, s22  }
0x1e: {  	[tilespmem:s21+$0xF0] =	vst v0  }
0x1f: {  	[tilespmem:s21+$0x80] =	vst v0  }
0x20: {  	[tilespmem:s21+$0x90] =	vst v0  }
0x21: {  	[tilespmem:s21+$0xA0] =	vst v0  }
0x22: {  	[tilespmem:s21+$0xB0] =	vst v0  }
0x23: {  	[tilespmem:s21+$0xC0] =	vst v0  }
0x24: {  	[tilespmem:s21+$0xD0] =	vst v0  }
0x25: {  	[tilespmem:s21+$0xE0] =	vst v0;
	s21 =	simm.s32 $0x0;
	s22 =	simm.s32 $0x200  }
.LBB2_4:
0x26: {  	p0 =	sne.s32 s22, $0xFE00;
	[tilespmem:s21+$0x28F0] =	vst v1  }
0x27: {  	[tilespmem:s21+$0x2880] =	vst v1  }
0x28: {  	[tilespmem:s21+$0x2890] =	vst v1  }
.Ltmp1:
0x29: {  	[tilespmem:s21+$0x28A0] =	vst v1;
	(pc) =	sbr.rel @p0 .LBB2_4-.Ltmp1, $4  }
0x2a: {  	[tilespmem:s21+$0x28B0] =	vst v1  }
0x2b: {  	[tilespmem:s21+$0x28C0] =	vst v1  }
0x2c: {  	[tilespmem:s21+$0x28D0] =	vst v1  }
0x2d: {  	[tilespmem:s21+$0x28E0] =	vst v1;
	s21 =	sshra.s32 s22, $0x2;
	s22 =	sadd.s32 $0x200, s22  }
0x2e: {  	[tilespmem:s21+$0x28F0] =	vst v1  }
0x2f: {  	[tilespmem:s21+$0x2880] =	vst v1  }
0x30: {  	[tilespmem:s21+$0x2890] =	vst v1  }
0x31: {  	[tilespmem:s21+$0x28A0] =	vst v1  }
0x32: {  	[tilespmem:s21+$0x28B0] =	vst v1  }
0x33: {  	[tilespmem:s21+$0x28C0] =	vst v1  }
0x34: {  	[tilespmem:s21+$0x28D0] =	vst v1  }
0x35: {  	[tilespmem:s21+$0x28E0] =	vst v1  }
0x36: {  	[spmem:s4] =	stream.linear.scatter [tilespmem:s16], [sflag:$0x1], $0x4000, $0x38;
	[tilespmem:$0x1A880] =	vst v63  }
0x37: {  	_ =	swait.ge [sflag:s17], $0x4000  }
0x38: {  	[sflag:s17] =	ssyncset.done $0x0  }
0x39: {  	[sflag:s17] =	ssyncadd.s32 $0xFFFFC000  }
0x3a: {  	[spmem:s5] =	stream.linear.scatter [tilespmem:s16], [sflag:$0x1], $0x4000, $0x38;
	[tilespmem:$0x1A880] =	vst v63  }
0x3b: {  	_ =	swait.ge [sflag:s17], $0x4000  }
0x3c: {  	[sflag:s17] =	ssyncset.done $0x0  }
0x3d: {  	[sflag:s17] =	ssyncadd.s32 $0xFFFFC000  }
0x3e: {  	[spmem:s6] =	stream.linear.scatter [tilespmem:s16], [sflag:$0x1], $0x4000, $0x38;
	[tilespmem:$0x1A880] =	vst v63  }
0x3f: {  	_ =	swait.ge [sflag:s17], $0x4000  }
0x40: {  	[sflag:s17] =	ssyncset.done $0x0  }
0x41: {  	[sflag:s17] =	ssyncadd.s32 $0xFFFFC000  }
0x42: {  	[spmem:s7] =	stream.linear.scatter [tilespmem:s16], [sflag:$0x1], $0x4000, $0x38;
	[tilespmem:$0x1A880] =	vst v63  }
0x43: {  	_ =	swait.ge [sflag:s17], $0x4000  }
0x44: {  	[sflag:s17] =	ssyncset.done $0x0  }
0x45: {  	[sflag:s17] =	ssyncadd.s32 $0xFFFFC000  }
0x46: {  	[spmem:s8] =	stream.linear.scatter [tilespmem:s16], [sflag:$0x1], $0x4000, $0x38;
	[tilespmem:$0x1A880] =	vst v63  }
0x47: {  	_ =	swait.ge [sflag:s17], $0x4000  }
0x48: {  	[sflag:s17] =	ssyncset.done $0x0  }
0x49: {  	[sflag:s17] =	ssyncadd.s32 $0xFFFFC000  }
0x4a: {  	s31 =	sadd.s32 $0x0, s15;
	[bflag:$0x0] =	sbarrier.arrive $0xFFFF  }
0x4b: {  	[tilespmem:s3], [sflag:$0x1] =	stream.linear.gather [hbm4b:s31+s3], $0x50, $0x38;
	[tilespmem:$0x1A880] =	vst v63  }
0x4c: {  	_ =	swait.ge [sflag:s17], $0x50  }
0x4d: {  	[sflag:s17] =	ssyncset.done $0x0  }
0x4e: {  	[sflag:s17] =	ssyncadd.s32 $0xFFFFFFB0  }
0x4f: {  	[spmem:s2] =	stream.indirect.scatter.add.f32 [tilespmem:s19], [sflag:$0x1], $0x80, s3, s18, $0xb8;
	[tilespmem:$0x1A880] =	vst v63  }
0x50: {  	_ =	swait.ge [sflag:s17], $0x2800  }
0x51: {  	s21 =	simm.s32 $0xA;
	s22 =	simm.s32 $0x14;
	[sflag:s17] =	ssyncset.done $0x0  }
.LBB2_6:
0x52: {  	s23 =	sadd.s32 s21, s15  }
0x53: {  	[sflag:s17] =	ssyncadd.s32 $0xFFFFD800;
	s21 =	smov.u32 s22;
	s24 =	sadd.s32 $0xA, s22  }
0x54: {  	[tilespmem:s3], [sflag:$0x1] =	stream.linear.gather [hbm4b:s23+s3], $0x50, $0x38;
	[tilespmem:$0x1A880] =	vst v63  }
0x55: {  	p0 =	sne.s32 s22, $0x4D8;
	_ =	swait.ge [sflag:s17], $0x50  }
.Ltmp2:
0x56: {  	[sflag:s17] =	ssyncset.done $0x0;
	(pc) =	sbr.rel @p0 .LBB2_6-.Ltmp2, $4  }
0x57: {  	[sflag:s17] =	ssyncadd.s32 $0xFFFFFFB0  }
0x58: {  	[spmem:s2] =	stream.indirect.scatter.add.f32 [tilespmem:s19], [sflag:$0x1], $0x80, s3, s18, $0xb8;
	[tilespmem:$0x1A880] =	vst v63  }
0x59: {  	_ =	swait.ge [sflag:s17], $0x2800  }
0x5a: {  	s22 =	smov.u32 s24;
	[sflag:s17] =	ssyncset.done $0x0  }
0x5b: {  	s21 =	sadd.s32 s21, s15;
	[sflag:s17] =	ssyncadd.s32 $0xFFFFD800  }
0x5c: {  	[tilespmem:s3], [sflag:$0x1] =	stream.linear.gather [hbm4b:s21+s3], $0x50, $0x38;
	[tilespmem:$0x1A880] =	vst v63  }
0x5d: {  	_ =	swait.ge [sflag:s17], $0x50  }
0x5e: {  	[sflag:s17] =	ssyncset.done $0x0  }
0x5f: {  	[sflag:s17] =	ssyncadd.s32 $0xFFFFFFB0  }
0x60: {  	[spmem:s2] =	stream.indirect.scatter.add.f32 [tilespmem:s19], [sflag:$0x1], $0x80, s3, s18, $0xb8;
	[tilespmem:$0x1A880] =	vst v63  }
0x61: {  	_ =	swait.ge [sflag:s17], $0x2800  }
0x62: {  	[sflag:s17] =	ssyncset.done $0x0  }
0x63: {  	s26 =	sshll.u32 s1, $0x6;
	[sflag:s17] =	ssyncadd.s32 $0xFFFFD800  }
0x64: {  	s22 =	sshrl.u32 s4, $0x3;
	s21 =	sor.u32 $0x1C01, s26;
	[bflag:$0x0] =	sbarrier.arrive $0xFFFF  }
0x65: {  	[hbm:s9], [sflag:s21] =	dma.local [spmem:s22], $0x800  }
0x66: {  	_ =	swait.ge [sflag:s17], $0x800  }
0x67: {  	[sflag:s17] =	ssyncset.done $0x0  }
0x68: {  	s28 =	sshrl.u32 s5, $0x3;
	[sflag:s17] =	ssyncadd.s32 $0xFFFFF800  }
0x69: {  	[hbm:s10], [sflag:s21] =	dma.local [spmem:s28], $0x800  }
0x6a: {  	_ =	swait.ge [sflag:s17], $0x800  }
0x6b: {  	[sflag:s17] =	ssyncset.done $0x0  }
0x6c: {  	s29 =	sshrl.u32 s6, $0x3;
	[sflag:s17] =	ssyncadd.s32 $0xFFFFF800  }
0x6d: {  	[hbm:s11], [sflag:s21] =	dma.local [spmem:s29], $0x800  }
0x6e: {  	_ =	swait.ge [sflag:s17], $0x800  }
0x6f: {  	[sflag:s17] =	ssyncset.done $0x0  }
0x70: {  	s30 =	sshrl.u32 s7, $0x3;
	[sflag:s17] =	ssyncadd.s32 $0xFFFFF800  }
0x71: {  	[hbm:s12], [sflag:s21] =	dma.local [spmem:s30], $0x800  }
0x72: {  	s20 =	sadd.s32 $0x1, s20;
	_ =	swait.ge [sflag:s17], $0x800  }
0x73: {  	p0 =	sne.s32 s20, s14;
	[sflag:s17] =	ssyncset.done $0x0  }
.Ltmp3:
0x74: {  	s31 =	sshrl.u32 s8, $0x3;
	[sflag:s17] =	ssyncadd.s32 $0xFFFFF800;
	(pc) =	sbr.rel @p0 .LBB2_1-.Ltmp3, $4  }
0x75: {  	[hbm:s13], [sflag:s21] =	dma.local [spmem:s31], $0x800  }
0x76: {  	_ =	swait.ge [sflag:s17], $0x800  }
0x77: {  	[sflag:s17] =	ssyncset.done $0x0  }
0x78: {  	[sflag:s17] =	ssyncadd.s32 $0xFFFFF800  }
0x79: {  	_ =	sfence.sel $0x180000  }
0x7a: {  	[bflag:$0x0] =	sbarrier.arrive $0xFFFF  }
0x7b: {  	p0 =	sne.s32 s1, $0x0;
	_ =	strace $0x90000047  }
0x7c: {  	s0 =	sadd.s32 @!p0 $0x100000, s0;
	[bflag:$0x2] =	sbarrier.arrive $0xFFFF  }
0x7d: {  	[sflag:s0] =	ssyncadd.tile.s32 @!p0 $0x1;
	_ =	shalt  }
.Lfunc_end2:
_tile_overlayer_lowered:
.L_overlay_start_2:
0x7e: {  	(tag) =	ssettag $0x2  }
0x7f: {  	s0 =	rddreg [dreg:$0x0];
	s2 =	stileid.u32  }
0x80: {  	s1 =	rddreg [dreg:$0x1];
	p0 =	sne.s32 s2, $0x0  }
0x81: {  	s3 =	rddreg [dreg:$0x2];
	[bflag:$0x3] =	sbarrier.arrive $0xFFFF;
	s2 =	simm.s32 @!p0 $0x1C01  }
0x82: {  	[timem:s3], [sflag:s2] =	dma.local @!p0 [hbm:s0], s1  }
0x83: {  	s0 =	simm.s32 @!p0 $0x1  }
0x84: {  	_ =	swait.ge @!p0 [sflag:s0], s1  }
0x85: {  	s1 =	ssub.s32 @!p0 $0x0, s1;
	[sflag:s0] =	ssyncset.done @!p0 $0x0  }
0x86: {  	[sflag:s0] =	ssyncadd.s32 @!p0 s1  }
0x87: {  	[bflag:$0x3] =	sbarrier.arrive $0xFFFF  }
0x88: {  	_ =	shalt  }

</sc_bundles>
